<compile_context>
chip_gen: v7x
topology: tpu7x:2x2x1
jax: 0.10.2.dev20260603
libtpu: 0.0.44.dev20260713+nightly
codegen_flags: <defaults>
</compile_context>

<pallas_src>
import functools

import jax
import jax.numpy as jnp
from jax import lax
from jax.experimental import pallas as pl
from jax.experimental.pallas import tpu as pltpu
from jax.experimental.pallas import tpu_sc as plsc

B = 16384
F = 26
D = 16
M0 = 256
M1 = 128
EPS = 1e-5
V = 2600000

NC = 2
NS = 16
NW = NC * NS
L = 16

TOTAL_IDX = B * F
IDX_PER_W = TOTAL_IDX // NW
SUB = 128
NSUB = IDX_PER_W // SUB
GRP = 8
NGRP = NSUB // GRP
GIDX = GRP * SUB

VCHUNK = 1024
NCHUNK = V // VCHUNK
VREM = V - NCHUNK * VCHUNK
TPW = (NCHUNK + NW - 1) // NW
LINROWS = V * D // 128


def _mesh():
  return plsc.VectorSubcoreMesh(core_axis_name="c", subcore_axis_name="s",
                                num_cores=NC, num_subcores=NS)


LROWS_C = VCHUNK * D // 128


def _transpose_chunk(ib, ob, nrows):
  lane = lax.iota(jnp.int32, L)
  us = [jnp.full((L,), u, jnp.int32) for u in range(8)]

  @plsc.parallel_loop(0, nrows // 8, unroll=8 if nrows >= 64 else 1)
  def tr(v8):
    base = v8 * 8
    vals = [plsc.load_gather(ib, [lane, us[u] + base]) for u in range(8)]
    for u in range(8):
      ob[v8, pl.ds(u * D, D)] = vals[u]


def _detile_body(wt, lin, ib0, ib1, ob0, ob1, rb, ri,
                 sem_i0, sem_i1, sem_o0, sem_o1):
  wid = lax.axis_index("s") * NC + lax.axis_index("c")
  ibs = (ib0, ib1)
  obs = (ob0, ob1)
  isems = (sem_i0, sem_i1)
  osems = (sem_o0, sem_o1)

  @pl.when(wid < NCHUNK)
  def _():
    pltpu.async_copy(wt.at[:, pl.ds(wid * VCHUNK, VCHUNK)],
                     ib0.at[:, pl.ds(0, VCHUNK)], sem_i0)

  def step(t, carry):
    c = wid + t * NW

    for b in range(2):

      @pl.when((t % 2 == b) & (c < NCHUNK))
      def _():
        @pl.when(c + NW < NCHUNK)
        def _():
          pltpu.async_copy(wt.at[:, pl.ds((c + NW) * VCHUNK, VCHUNK)],
                           ibs[1 - b].at[:, pl.ds(0, VCHUNK)], isems[1 - b])

        pltpu.make_async_copy(
            wt.at[:, pl.ds(0, VCHUNK)], ibs[b].at[:, pl.ds(0, VCHUNK)],
            isems[b]).wait()

        @pl.when(t >= 2)
        def _():
          pltpu.make_async_copy(obs[b], lin.at[pl.ds(0, LROWS_C)],
                                osems[b]).wait()

        _transpose_chunk(ibs[b], obs[b], VCHUNK)
        pltpu.async_copy(obs[b], lin.at[pl.ds(c * LROWS_C, LROWS_C)],
                         osems[b])

    return carry

  lax.fori_loop(0, TPW, step, 0, unroll=False)

  nw_chunks = (NCHUNK - 1 - wid) // NW + 1

  for b in range(2):

    @pl.when(nw_chunks >= 1 + b)
    def _():
      pltpu.make_async_copy(obs[b], lin.at[pl.ds(0, LROWS_C)],
                            osems[b]).wait()

  @pl.when(wid == 0)
  def _():
    pltpu.sync_copy(wt.at[:, pl.ds(NCHUNK * VCHUNK, VREM)], ri)
    _transpose_chunk(ri, rb, VREM)
    pltpu.sync_copy(rb, lin.at[pl.ds(NCHUNK * LROWS_C, VREM * D // 128)])


@jax.jit
def _sc_detile(wt):
  return pl.kernel(
      _detile_body,
      out_type=jax.ShapeDtypeStruct((LINROWS, 128), jnp.float32),
      mesh=_mesh(),
      scratch_types=[
          pltpu.VMEM((D, VCHUNK + 1), jnp.float32),
          pltpu.VMEM((D, VCHUNK + 1), jnp.float32),
          pltpu.VMEM((LROWS_C, 128), jnp.float32),
          pltpu.VMEM((LROWS_C, 128), jnp.float32),
          pltpu.VMEM((VREM * D // 128, 128), jnp.float32),
          pltpu.VMEM((D, VREM), jnp.float32),
          pltpu.SemaphoreType.DMA,
          pltpu.SemaphoreType.DMA,
          pltpu.SemaphoreType.DMA,
          pltpu.SemaphoreType.DMA,
      ],
      compiler_params=pltpu.CompilerParams(use_tc_tiling_on_sc=True,
                                           needs_layout_passes=False),
  )(wt)


def _gath(ref, p0, cols):
  lane = lax.iota(jnp.int32, L)
  return plsc.load_gather(ref, [p0 + lane, cols])


def _sc_gather_body(x2d, wemb, wfc16, emb_out, fc_out,
                    idx_v, idxs_v, rows_v, fcraw_v, fcv_v, sem_e, sem_f):
  wid = lax.axis_index("s") * NC + lax.axis_index("c")
  base_sub = wid * NSUB
  base_idx = wid * IDX_PER_W
  pltpu.sync_copy(x2d.at[pl.ds(base_sub, NSUB)], idx_v)

  def shift_body(r, c):
    for k in range(SUB // L):
      v = idx_v[r, pl.ds(k * L, L)]
      idxs_v[r, pl.ds(k * L, L)] = lax.shift_right_logical(v, 4)
    return c

  lax.fori_loop(0, NSUB, shift_body, 0, unroll=False)

  def group(g, carry):
    descs = []
    for j in range(GRP):
      row = g * GRP + j
      ie = idx_v.at[row]
      iff = idxs_v.at[row]
      descs.append(pltpu.async_copy(
          wemb.at[ie], rows_v.at[pl.ds(j * SUB, SUB)], sem_e))
      descs.append(pltpu.async_copy(
          wfc16.at[iff], fcraw_v.at[pl.ds(j * SUB, SUB)], sem_f))
    for d in descs:
      d.wait()
    for j in range(GRP):
      row = g * GRP + j
      for k in range(SUB // L):
        p0 = j * SUB + k * L
        v = idx_v[row, pl.ds(k * L, L)]
        fcv_v[pl.ds(p0, L)] = _gath(fcraw_v, p0, lax.bitwise_and(v, 15))
    off = base_idx + g * GIDX
    pltpu.sync_copy(rows_v, emb_out.at[pl.ds(off, GIDX)])
    pltpu.sync_copy(fcv_v, fc_out.at[pl.ds(off, GIDX)])
    return carry

  lax.fori_loop(0, NGRP, group, 0, unroll=False)


def _sc_scratch():
  return [
      pltpu.VMEM((NSUB, SUB), jnp.int32),
      pltpu.VMEM((NSUB, SUB), jnp.int32),
      pltpu.VMEM((GIDX, D), jnp.float32),
      pltpu.VMEM((GIDX, D), jnp.float32),
      pltpu.VMEM((GIDX,), jnp.float32),
      pltpu.SemaphoreType.DMA,
      pltpu.SemaphoreType.DMA,
  ]


@jax.jit
def _sc_gather(x2d, wemb, wfc16):
  return pl.kernel(
      _sc_gather_body,
      out_type=(
          jax.ShapeDtypeStruct((TOTAL_IDX, D), jnp.float32),
          jax.ShapeDtypeStruct((TOTAL_IDX,), jnp.float32),
      ),
      mesh=_mesh(),
      scratch_types=_sc_scratch(),
      compiler_params=pltpu.CompilerParams(use_tc_tiling_on_sc=False,
                                           needs_layout_passes=False),
  )(x2d, wemb, wfc16)


BM = 1024


def _tc_body(conc_ref, fcm_ref, w0t_ref, b0_ref, w1t_ref, b1_ref, wl_ref,
             amat_ref, lw_ref, bt_ref, out_ref):
  c = conc_ref[...]
  h = jnp.dot(c, w0t_ref[...], preferred_element_type=jnp.float32)
  h = jnp.maximum(h + b0_ref[...], 0.0)
  h = jnp.dot(h, w1t_ref[...], preferred_element_type=jnp.float32)
  h = jnp.maximum(h + b1_ref[...], 0.0)
  mlp = jnp.sum(h * wl_ref[...], axis=1, keepdims=True)
  a = amat_ref[...]
  s = jnp.dot(c, a, preferred_element_type=jnp.float32)
  ss = jnp.dot(c * c, a, preferred_element_type=jnp.float32)
  fm = 0.5 * jnp.sum(s * s - ss, axis=1, keepdims=True)
  lin = jnp.sum(fcm_ref[...], axis=1, keepdims=True) * lw_ref[0, 0]
  out_ref[...] = jax.nn.sigmoid(lin + fm + mlp + bt_ref[0, 0])


def _tc_head(conc, fcm, w0t, b0f, w1t, b1f, wlr, amat, lw, btot):
  grid = (B // BM,)
  return pl.pallas_call(
      _tc_body,
      grid=grid,
      in_specs=[
          pl.BlockSpec((BM, F * D), lambda i: (i, 0)),
          pl.BlockSpec((BM, F), lambda i: (i, 0)),
          pl.BlockSpec((F * D, M0), lambda i: (0, 0)),
          pl.BlockSpec((1, M0), lambda i: (0, 0)),
          pl.BlockSpec((M0, M1), lambda i: (0, 0)),
          pl.BlockSpec((1, M1), lambda i: (0, 0)),
          pl.BlockSpec((1, M1), lambda i: (0, 0)),
          pl.BlockSpec((F * D, D), lambda i: (0, 0)),
          pl.BlockSpec(memory_space=pltpu.SMEM),
          pl.BlockSpec(memory_space=pltpu.SMEM),
      ],
      out_specs=pl.BlockSpec((BM, 1), lambda i: (i, 0)),
      out_shape=jax.ShapeDtypeStruct((B, 1), jnp.float32),
  )(conc, fcm, w0t, b0f, w1t, b1f, wlr, amat, lw, btot)


def kernel(x, W_emb, W_fc, lin_w, lin_b, W0, b0, g0, bt0, rm0, rv0,
           W1, b1, g1, bt1, rm1, rv1, Wl, bl):
  x2d = x.reshape(TOTAL_IDX // SUB, SUB).astype(jnp.int32)
  lin_tbl = _sc_detile(W_emb.T)
  wembL = lin_tbl.reshape(V, D)
  wfc16 = W_fc.reshape(-1, 16)
  emb_flat, fc_flat = _sc_gather(x2d, wembL, wfc16)
  conc = emb_flat.reshape(B, F * D)
  fcm = fc_flat.reshape(B, F)
  s0 = g0 * lax.rsqrt(rv0 + EPS)
  w0t = (W0 * s0[:, None]).T
  b0f = ((b0 - rm0) * s0 + bt0).reshape(1, M0)
  s1 = g1 * lax.rsqrt(rv1 + EPS)
  w1t = (W1 * s1[:, None]).T
  b1f = ((b1 - rm1) * s1 + bt1).reshape(1, M1)
  wlr = Wl.reshape(1, M1)
  amat = jnp.tile(jnp.eye(D, dtype=jnp.float32), (F, 1))
  btot = (lin_b + bl).reshape(1, 1)
  out = _tc_head(conc, fcm, w0t, b0f, w1t, b1f, wlr, amat, lin_w, btot)
  return out[:, 0]

# --- scband reference (transcript-rebuilt; emitter-appended) ---
"""Pipeline reference for scband-deep-fm-44547400794136 (READ-ONLY COPY).

The authoritative reference and input builder live on the scoring server;
editing this copy changes nothing except your own understanding.
"""

import jax, jax.numpy as jnp
import numpy as np

B = 16384
F = 26
V = 2600000  # sum(field_dims)
D = 16       # fact_num
M0 = 256
M1 = 128
EPS = 1e-5


def setup_inputs(seed: int = 0) -> dict:
    key = jax.random.key(seed)
    ks = jax.random.split(key, 12)
    x = jax.random.randint(ks[0], (B, F), 0, V, dtype=jnp.int64) if jax.config.read('jax_enable_x64') else jax.random.randint(ks[0], (B, F), 0, V, dtype=jnp.int32)
    W_emb = jax.random.normal(ks[1], (V, D), dtype=jnp.float32) * 0.01
    W_fc = jax.random.normal(ks[2], (V, 1), dtype=jnp.float32) * 0.01
    lin_w = jax.random.normal(ks[3], (1, 1), dtype=jnp.float32)
    lin_b = jnp.zeros((1,), dtype=jnp.float32)
    W0 = jax.random.normal(ks[4], (M0, F * D), dtype=jnp.float32) * (1.0 / np.sqrt(F * D))
    b0 = jnp.zeros((M0,), dtype=jnp.float32)
    g0 = jnp.ones((M0,), dtype=jnp.float32)
    bt0 = jnp.zeros((M0,), dtype=jnp.float32)
    rm0 = jnp.zeros((M0,), dtype=jnp.float32)
    rv0 = jnp.ones((M0,), dtype=jnp.float32)
    W1 = jax.random.normal(ks[5], (M1, M0), dtype=jnp.float32) * (1.0 / np.sqrt(M0))
    b1 = jnp.zeros((M1,), dtype=jnp.float32)
    g1 = jnp.ones((M1,), dtype=jnp.float32)
    bt1 = jnp.zeros((M1,), dtype=jnp.float32)
    rm1 = jnp.zeros((M1,), dtype=jnp.float32)
    rv1 = jnp.ones((M1,), dtype=jnp.float32)
    Wl = jax.random.normal(ks[6], (1, M1), dtype=jnp.float32) * (1.0 / np.sqrt(M1))
    bl = jnp.zeros((1,), dtype=jnp.float32)
    return dict(x=x, W_emb=W_emb, W_fc=W_fc, lin_w=lin_w, lin_b=lin_b,
                W0=W0, b0=b0, g0=g0, bt0=bt0, rm0=rm0, rv0=rv0,
                W1=W1, b1=b1, g1=g1, bt1=bt1, rm1=rm1, rv1=rv1,
                Wl=Wl, bl=bl)


def reference(x, W_emb, W_fc, lin_w, lin_b,
              W0, b0, g0, bt0, rm0, rv0,
              W1, b1, g1, bt1, rm1, rv1,
              Wl, bl):
    # embedding lookups (SparseCore gathers)
    embedded = jnp.take(W_emb, x, axis=0)          # [B, F, D]
    square_sum = jnp.sum(embedded, axis=1) ** 2     # [B, D]
    sum_square = jnp.sum(embedded ** 2, axis=1)     # [B, D]
    concat_embed = embedded.reshape(-1, F * D)      # [B, F*D]
    fc_sum = jnp.take(W_fc, x, axis=0).sum(axis=1)  # [B, 1]
    lin = fc_sum @ lin_w.T + lin_b                  # [B, 1]
    fm = 0.5 * jnp.sum(square_sum - sum_square, axis=1, keepdims=True)  # [B, 1]
    # MLP (eval mode: BN uses running stats, dropout is identity)
    h = concat_embed @ W0.T + b0
    h = g0 * (h - rm0) / jnp.sqrt(rv0 + EPS) + bt0
    h = jax.nn.relu(h)
    h = h @ W1.T + b1
    h = g1 * (h - rm1) / jnp.sqrt(rv1 + EPS) + bt1
    h = jax.nn.relu(h)
    mlp_out = h @ Wl.T + bl                          # [B, 1]
    out = jax.nn.sigmoid(lin + fm + mlp_out)
    return out.squeeze(1)

if __name__ == "__main__":
    import jax
    _d = setup_inputs()
    print(jax.jit(kernel)(*tuple(_d.values())))

</pallas_src>

<mosaic_0001>
#map = affine_map<(d0, d1) -> (0, 0)>
module attributes {stable_mosaic.version = 14 : i64} {
  func.func @_detile_body(%arg0: i32, %arg1: i32, %arg2: memref<16x2600000xf32, #tpu.memory_space<hbm>>, %arg3: memref<325000x128xf32, #tpu.memory_space<hbm>>, %arg4: memref<16x1025xf32, #tpu.memory_space<vmem>>, %arg5: memref<16x1025xf32, #tpu.memory_space<vmem>>, %arg6: memref<128x128xf32, #tpu.memory_space<vmem>>, %arg7: memref<128x128xf32, #tpu.memory_space<vmem>>, %arg8: memref<8x128xf32, #tpu.memory_space<vmem>>, %arg9: memref<16x64xf32, #tpu.memory_space<vmem>>, %arg10: memref<!tpu.dma_semaphore, #tpu.memory_space<semaphore_mem>>, %arg11: memref<!tpu.dma_semaphore, #tpu.memory_space<semaphore_mem>>, %arg12: memref<!tpu.dma_semaphore, #tpu.memory_space<semaphore_mem>>, %arg13: memref<!tpu.dma_semaphore, #tpu.memory_space<semaphore_mem>>) attributes {dimension_semantics = [#tpu.dimension_semantics<core_parallel>, #tpu.dimension_semantics<subcore_parallel>], iteration_bounds = array<i64: 2, 16>, scalar_prefetch = 0 : i64, scratch_operands = 10 : i64, tpu.core_type = #tpu.core_type<sc_vector_subcore>, window_params = [{transform_indices = #map}, {transform_indices = #map}]} {
    %mul3A = arith.constant 2 : i32
    %mul3A_0 = arith.muli %arg1, %mul3A : i32
    %add3A = arith.addi %mul3A_0, %arg0 : i32
    %lt3A = arith.constant 2539 : i32
    %lt3A_1 = arith.cmpi slt, %add3A, %lt3A : i32
    %convert_element_type3A = arith.extui %lt3A_1 : i1 to i32
    %cond3A = arith.constant 0 : i32
    %cond3A_2 = arith.cmpi ne, %convert_element_type3A, %cond3A : i32
    scf.if %cond3A_2 {
      %mul3A_41 = arith.constant 1024 : i32
      %mul3A_42 = arith.muli %add3A, %mul3A_41 : i32
      %dma_start3A = arith.constant 0 : i32
      %dma_start3A_43 = arith.constant 0 : i32
      %dma_start3A_44 = tpu.memref_slice %arg4[%dma_start3A, %dma_start3A_43] : memref<16x1025xf32, #tpu.memory_space<vmem>> -> memref<16x1024xf32, #tpu.memory_space<vmem>>
      %dma_start3A_45 = arith.constant 0 : i32
      %dma_start3A_46 = tpu.memref_slice %arg2[%dma_start3A_45, %mul3A_42] : memref<16x2600000xf32, #tpu.memory_space<hbm>> -> memref<16x1024xf32, #tpu.memory_space<hbm>>
      %dma_start3A_47 = arith.constant 0 : i32
      %dma_start3A_48 = arith.constant 0 : i32
      %dma_start3A_49 = tpu.memref_slice %arg4[%dma_start3A_47, %dma_start3A_48] : memref<16x1025xf32, #tpu.memory_space<vmem>> -> memref<16x1024xf32, #tpu.memory_space<vmem>>
      %dma_start3A_50 = arith.constant 0 : i32
      %dma_start3A_51 = tpu.memref_slice %arg2[%dma_start3A_50, %mul3A_42] : memref<16x2600000xf32, #tpu.memory_space<hbm>> -> memref<16x1024xf32, #tpu.memory_space<hbm>>
      tpu.enqueue_dma source(%dma_start3A_51 : memref<16x1024xf32, #tpu.memory_space<hbm>>) target(%dma_start3A_49 : memref<16x1024xf32, #tpu.memory_space<vmem>>) target_semaphore(%arg10 : memref<!tpu.dma_semaphore, #tpu.memory_space<semaphore_mem>>)
    } else {
    }
    %scan3A = arith.constant 0 : i32
    %scan3A_3 = arith.constant 0 : i32
    %scan3A_4 = arith.constant 80 : i32
    %scan3A_5 = arith.addi %scan3A_3, %scan3A_4 : i32
    %scan3A_6 = arith.constant 1 : i32
    scf.for %scan3A_41 = %scan3A_3 to %scan3A_5 step %scan3A_6  : i32 {
      %mul3A_42 = arith.constant 32 : i32
      %mul3A_43 = arith.muli %scan3A_41, %mul3A_42 : i32
      %add3A_44 = arith.addi %add3A, %mul3A_43 : i32
      %jit3A_45 = arith.constant 2 : i32
      %eq3A_46 = arith.constant 0 : i32
      %eq3A_47 = arith.cmpi eq, %jit3A_45, %eq3A_46 : i32
      %jit3A_48 = arith.constant 1 : i32
      %select_n3A_49 = arith.select %eq3A_47, %jit3A_48, %jit3A_45 : i32
      %rem3A_50 = arith.remsi %scan3A_41, %select_n3A_49 : i32
      %ne3A_51 = arith.constant 0 : i32
      %ne3A_52 = arith.cmpi ne, %rem3A_50, %ne3A_51 : i32
      %lt3A_53 = arith.constant 0 : i32
      %lt3A_54 = arith.cmpi slt, %rem3A_50, %lt3A_53 : i32
      %lt3A_55 = arith.constant 0 : i32
      %lt3A_56 = arith.cmpi slt, %select_n3A_49, %lt3A_55 : i32
      %ne3A_57 = arith.xori %lt3A_54, %lt3A_56 : i1
      %and3A_58 = arith.andi %ne3A_57, %ne3A_52 : i1
      %add3A_59 = arith.addi %rem3A_50, %select_n3A_49 : i32
      %select_n3A_60 = arith.select %and3A_58, %add3A_59, %rem3A_50 : i32
      %eq3A_61 = arith.constant 0 : i32
      %eq3A_62 = arith.cmpi eq, %select_n3A_60, %eq3A_61 : i32
      %lt3A_63 = arith.constant 2539 : i32
      %lt3A_64 = arith.cmpi slt, %add3A_44, %lt3A_63 : i32
      %and3A_65 = arith.andi %eq3A_62, %lt3A_64 : i1
      %convert_element_type3A_66 = arith.extui %and3A_65 : i1 to i32
      %cond3A_67 = arith.constant 0 : i32
      %cond3A_68 = arith.cmpi ne, %convert_element_type3A_66, %cond3A_67 : i32
      scf.if %cond3A_68 {
        %add3A_93 = arith.constant 32 : i32
        %add3A_94 = arith.addi %add3A_44, %add3A_93 : i32
        %lt3A_95 = arith.constant 2539 : i32
        %lt3A_96 = arith.cmpi slt, %add3A_94, %lt3A_95 : i32
        %convert_element_type3A_97 = arith.extui %lt3A_96 : i1 to i32
        %cond3A_98 = arith.constant 0 : i32
        %cond3A_99 = arith.cmpi ne, %convert_element_type3A_97, %cond3A_98 : i32
        scf.if %cond3A_99 {
          %add3A_138 = arith.constant 32 : i32
          %add3A_139 = arith.addi %add3A_44, %add3A_138 : i32
          %mul3A_140 = arith.constant 1024 : i32
          %mul3A_141 = arith.muli %add3A_139, %mul3A_140 : i32
          %dma_start3A_142 = arith.constant 0 : i32
          %dma_start3A_143 = arith.constant 0 : i32
          %dma_start3A_144 = tpu.memref_slice %arg5[%dma_start3A_142, %dma_start3A_143] : memref<16x1025xf32, #tpu.memory_space<vmem>> -> memref<16x1024xf32, #tpu.memory_space<vmem>>
          %dma_start3A_145 = arith.constant 0 : i32
          %dma_start3A_146 = tpu.memref_slice %arg2[%dma_start3A_145, %mul3A_141] : memref<16x2600000xf32, #tpu.memory_space<hbm>> -> memref<16x1024xf32, #tpu.memory_space<hbm>>
          %dma_start3A_147 = arith.constant 0 : i32
          %dma_start3A_148 = arith.constant 0 : i32
          %dma_start3A_149 = tpu.memref_slice %arg5[%dma_start3A_147, %dma_start3A_148] : memref<16x1025xf32, #tpu.memory_space<vmem>> -> memref<16x1024xf32, #tpu.memory_space<vmem>>
          %dma_start3A_150 = arith.constant 0 : i32
          %dma_start3A_151 = tpu.memref_slice %arg2[%dma_start3A_150, %mul3A_141] : memref<16x2600000xf32, #tpu.memory_space<hbm>> -> memref<16x1024xf32, #tpu.memory_space<hbm>>
          tpu.enqueue_dma source(%dma_start3A_151 : memref<16x1024xf32, #tpu.memory_space<hbm>>) target(%dma_start3A_149 : memref<16x1024xf32, #tpu.memory_space<vmem>>) target_semaphore(%arg11 : memref<!tpu.dma_semaphore, #tpu.memory_space<semaphore_mem>>)
        } else {
        }
        %dma_wait3A = arith.constant 0 : i32
        %dma_wait3A_100 = arith.constant 0 : i32
        %dma_wait3A_101 = tpu.memref_slice %arg4[%dma_wait3A, %dma_wait3A_100] : memref<16x1025xf32, #tpu.memory_space<vmem>> -> memref<16x1024xf32, #tpu.memory_space<vmem>>
        %dma_wait3A_102 = arith.constant 0 : i32
        %dma_wait3A_103 = arith.constant 0 : i32
        %dma_wait3A_104 = tpu.memref_slice %arg2[%dma_wait3A_102, %dma_wait3A_103] : memref<16x2600000xf32, #tpu.memory_space<hbm>> -> memref<16x1024xf32, #tpu.memory_space<hbm>>
        %dma_wait3A_105 = arith.constant 0 : i32
        %dma_wait3A_106 = arith.constant 0 : i32
        %dma_wait3A_107 = tpu.memref_slice %arg4[%dma_wait3A_105, %dma_wait3A_106] : memref<16x1025xf32, #tpu.memory_space<vmem>> -> memref<16x1024xf32, #tpu.memory_space<vmem>>
        %dma_wait3A_108 = arith.constant 0 : i32
        %dma_wait3A_109 = arith.constant 0 : i32
        %dma_wait3A_110 = tpu.memref_slice %arg2[%dma_wait3A_108, %dma_wait3A_109] : memref<16x2600000xf32, #tpu.memory_space<hbm>> -> memref<16x1024xf32, #tpu.memory_space<hbm>>
        tpu.wait_dma2 semaphore(%arg10 : memref<!tpu.dma_semaphore, #tpu.memory_space<semaphore_mem>>) src(%dma_wait3A_110 : memref<16x1024xf32, #tpu.memory_space<hbm>>) dst(%dma_wait3A_107 : memref<16x1024xf32, #tpu.memory_space<vmem>>)
        %ge3A_111 = arith.constant 2 : i32
        %ge3A_112 = arith.cmpi sge, %scan3A_41, %ge3A_111 : i32
        %convert_element_type3A_113 = arith.extui %ge3A_112 : i1 to i32
        %cond3A_114 = arith.constant 0 : i32
        %cond3A_115 = arith.cmpi ne, %convert_element_type3A_113, %cond3A_114 : i32
        scf.if %cond3A_115 {
          %dma_wait3A_138 = arith.constant 0 : i32
          %dma_wait3A_139 = arith.constant 0 : i32
          %dma_wait3A_140 = tpu.memref_slice %arg3[%dma_wait3A_138, %dma_wait3A_139] : memref<325000x128xf32, #tpu.memory_space<hbm>> -> memref<128x128xf32, #tpu.memory_space<hbm>>
          %dma_wait3A_141 = arith.constant 0 : i32
          %dma_wait3A_142 = arith.constant 0 : i32
          %dma_wait3A_143 = tpu.memref_slice %arg3[%dma_wait3A_141, %dma_wait3A_142] : memref<325000x128xf32, #tpu.memory_space<hbm>> -> memref<128x128xf32, #tpu.memory_space<hbm>>
          tpu.wait_dma2 semaphore(%arg12 : memref<!tpu.dma_semaphore, #tpu.memory_space<semaphore_mem>>) src(%arg6 : memref<128x128xf32, #tpu.memory_space<vmem>>) dst(%dma_wait3A_143 : memref<128x128xf32, #tpu.memory_space<hbm>>)
        } else {
        }
        %iota3A = tpu.iota {dimensions = array<i32: 0>} : vector<16xi32>
        %broadcast_in_dim3A = arith.constant 0 : i32
        %broadcast_in_dim3A_116 = vector.broadcast %broadcast_in_dim3A : i32 to vector<16xi32>
        %broadcast_in_dim3A_117 = arith.constant 1 : i32
        %broadcast_in_dim3A_118 = vector.broadcast %broadcast_in_dim3A_117 : i32 to vector<16xi32>
        %broadcast_in_dim3A_119 = arith.constant 2 : i32
        %broadcast_in_dim3A_120 = vector.broadcast %broadcast_in_dim3A_119 : i32 to vector<16xi32>
        %broadcast_in_dim3A_121 = arith.constant 3 : i32
        %broadcast_in_dim3A_122 = vector.broadcast %broadcast_in_dim3A_121 : i32 to vector<16xi32>
        %broadcast_in_dim3A_123 = arith.constant 4 : i32
        %broadcast_in_dim3A_124 = vector.broadcast %broadcast_in_dim3A_123 : i32 to vector<16xi32>
        %broadcast_in_dim3A_125 = arith.constant 5 : i32
        %broadcast_in_dim3A_126 = vector.broadcast %broadcast_in_dim3A_125 : i32 to vector<16xi32>
        %broadcast_in_dim3A_127 = arith.constant 6 : i32
        %broadcast_in_dim3A_128 = vector.broadcast %broadcast_in_dim3A_127 : i32 to vector<16xi32>
        %broadcast_in_dim3A_129 = arith.constant 7 : i32
        %broadcast_in_dim3A_130 = vector.broadcast %broadcast_in_dim3A_129 : i32 to vector<16xi32>
        %parallel_loop3A = arith.constant 0 : i32
        %parallel_loop3A_131 = arith.constant 128 : i32
        %parallel_loop3A_132 = arith.constant 1 : i32
        scf.for %parallel_loop3A_138 = %parallel_loop3A to %parallel_loop3A_131 step %parallel_loop3A_132  : i32 {
          %parallel_loop3A_139 = arith.constant 8 : i32
          %parallel_loop3A_140 = arith.muli %parallel_loop3A_138, %parallel_loop3A_139 : i32
          %parallel_loop3A_141 = vector.broadcast %parallel_loop3A_140 : i32 to vector<16xi32>
          %parallel_loop3A_142 = arith.addi %broadcast_in_dim3A_116, %parallel_loop3A_141 : vector<16xi32>
          %parallel_loop3A_143 = tpu.vector_load_idx %arg4[%iota3A, %parallel_loop3A_142] : memref<16x1025xf32, #tpu.memory_space<vmem>>[vector<16xi32>, vector<16xi32>], vector<16xf32>,
          %parallel_loop3A_144 = vector.broadcast %parallel_loop3A_140 : i32 to vector<16xi32>
          %parallel_loop3A_145 = arith.addi %broadcast_in_dim3A_118, %parallel_loop3A_144 : vector<16xi32>
          %parallel_loop3A_146 = tpu.vector_load_idx %arg4[%iota3A, %parallel_loop3A_145] : memref<16x1025xf32, #tpu.memory_space<vmem>>[vector<16xi32>, vector<16xi32>], vector<16xf32>,
          %parallel_loop3A_147 = vector.broadcast %parallel_loop3A_140 : i32 to vector<16xi32>
          %parallel_loop3A_148 = arith.addi %broadcast_in_dim3A_120, %parallel_loop3A_147 : vector<16xi32>
          %parallel_loop3A_149 = tpu.vector_load_idx %arg4[%iota3A, %parallel_loop3A_148] : memref<16x1025xf32, #tpu.memory_space<vmem>>[vector<16xi32>, vector<16xi32>], vector<16xf32>,
          %parallel_loop3A_150 = vector.broadcast %parallel_loop3A_140 : i32 to vector<16xi32>
          %parallel_loop3A_151 = arith.addi %broadcast_in_dim3A_122, %parallel_loop3A_150 : vector<16xi32>
          %parallel_loop3A_152 = tpu.vector_load_idx %arg4[%iota3A, %parallel_loop3A_151] : memref<16x1025xf32, #tpu.memory_space<vmem>>[vector<16xi32>, vector<16xi32>], vector<16xf32>,
          %parallel_loop3A_153 = vector.broadcast %parallel_loop3A_140 : i32 to vector<16xi32>
          %parallel_loop3A_154 = arith.addi %broadcast_in_dim3A_124, %parallel_loop3A_153 : vector<16xi32>
          %parallel_loop3A_155 = tpu.vector_load_idx %arg4[%iota3A, %parallel_loop3A_154] : memref<16x1025xf32, #tpu.memory_space<vmem>>[vector<16xi32>, vector<16xi32>], vector<16xf32>,
          %parallel_loop3A_156 = vector.broadcast %parallel_loop3A_140 : i32 to vector<16xi32>
          %parallel_loop3A_157 = arith.addi %broadcast_in_dim3A_126, %parallel_loop3A_156 : vector<16xi32>
          %parallel_loop3A_158 = tpu.vector_load_idx %arg4[%iota3A, %parallel_loop3A_157] : memref<16x1025xf32, #tpu.memory_space<vmem>>[vector<16xi32>, vector<16xi32>], vector<16xf32>,
          %parallel_loop3A_159 = vector.broadcast %parallel_loop3A_140 : i32 to vector<16xi32>
          %parallel_loop3A_160 = arith.addi %broadcast_in_dim3A_128, %parallel_loop3A_159 : vector<16xi32>
          %parallel_loop3A_161 = tpu.vector_load_idx %arg4[%iota3A, %parallel_loop3A_160] : memref<16x1025xf32, #tpu.memory_space<vmem>>[vector<16xi32>, vector<16xi32>], vector<16xf32>,
          %parallel_loop3A_162 = vector.broadcast %parallel_loop3A_140 : i32 to vector<16xi32>
          %parallel_loop3A_163 = arith.addi %broadcast_in_dim3A_130, %parallel_loop3A_162 : vector<16xi32>
          %parallel_loop3A_164 = tpu.vector_load_idx %arg4[%iota3A, %parallel_loop3A_163] : memref<16x1025xf32, #tpu.memory_space<vmem>>[vector<16xi32>, vector<16xi32>], vector<16xf32>,
          %parallel_loop3A_165 = arith.index_cast %parallel_loop3A_138 : i32 to index
          %parallel_loop3A_166 = arith.constant 0 : index
          %parallel_loop3A_167 = tpu.vector_load %arg6[%parallel_loop3A_165, %parallel_loop3A_166] {strides = array<i32>} : memref<128x128xf32, #tpu.memory_space<vmem>>, vector<16xf32>,
          tpu.vector_store %arg6[%parallel_loop3A_165, %parallel_loop3A_166], %parallel_loop3A_143 {strides = array<i32>} : memref<128x128xf32, #tpu.memory_space<vmem>>, vector<16xf32>,
          %parallel_loop3A_168 = arith.index_cast %parallel_loop3A_138 : i32 to index
          %parallel_loop3A_169 = arith.constant 16 : index
          %parallel_loop3A_170 = tpu.vector_load %arg6[%parallel_loop3A_168, %parallel_loop3A_169] {strides = array<i32>} : memref<128x128xf32, #tpu.memory_space<vmem>>, vector<16xf32>,
          tpu.vector_store %arg6[%parallel_loop3A_168, %parallel_loop3A_169], %parallel_loop3A_146 {strides = array<i32>} : memref<128x128xf32, #tpu.memory_space<vmem>>, vector<16xf32>,
          %parallel_loop3A_171 = arith.index_cast %parallel_loop3A_138 : i32 to index
          %parallel_loop3A_172 = arith.constant 32 : index
          %parallel_loop3A_173 = tpu.vector_load %arg6[%parallel_loop3A_171, %parallel_loop3A_172] {strides = array<i32>} : memref<128x128xf32, #tpu.memory_space<vmem>>, vector<16xf32>,
          tpu.vector_store %arg6[%parallel_loop3A_171, %parallel_loop3A_172], %parallel_loop3A_149 {strides = array<i32>} : memref<128x128xf32, #tpu.memory_space<vmem>>, vector<16xf32>,
          %parallel_loop3A_174 = arith.index_cast %parallel_loop3A_138 : i32 to index
          %parallel_loop3A_175 = arith.constant 48 : index
          %parallel_loop3A_176 = tpu.vector_load %arg6[%parallel_loop3A_174, %parallel_loop3A_175] {strides = array<i32>} : memref<128x128xf32, #tpu.memory_space<vmem>>, vector<16xf32>,
          tpu.vector_store %arg6[%parallel_loop3A_174, %parallel_loop3A_175], %parallel_loop3A_152 {strides = array<i32>} : memref<128x128xf32, #tpu.memory_space<vmem>>, vector<16xf32>,
          %parallel_loop3A_177 = arith.index_cast %parallel_loop3A_138 : i32 to index
          %parallel_loop3A_178 = arith.constant 64 : index
          %parallel_loop3A_179 = tpu.vector_load %arg6[%parallel_loop3A_177, %parallel_loop3A_178] {strides = array<i32>} : memref<128x128xf32, #tpu.memory_space<vmem>>, vector<16xf32>,
          tpu.vector_store %arg6[%parallel_loop3A_177, %parallel_loop3A_178], %parallel_loop3A_155 {strides = array<i32>} : memref<128x128xf32, #tpu.memory_space<vmem>>, vector<16xf32>,
          %parallel_loop3A_180 = arith.index_cast %parallel_loop3A_138 : i32 to index
          %parallel_loop3A_181 = arith.constant 80 : index
          %parallel_loop3A_182 = tpu.vector_load %arg6[%parallel_loop3A_180, %parallel_loop3A_181] {strides = array<i32>} : memref<128x128xf32, #tpu.memory_space<vmem>>, vector<16xf32>,
          tpu.vector_store %arg6[%parallel_loop3A_180, %parallel_loop3A_181], %parallel_loop3A_158 {strides = array<i32>} : memref<128x128xf32, #tpu.memory_space<vmem>>, vector<16xf32>,
          %parallel_loop3A_183 = arith.index_cast %parallel_loop3A_138 : i32 to index
          %parallel_loop3A_184 = arith.constant 96 : index
          %parallel_loop3A_185 = tpu.vector_load %arg6[%parallel_loop3A_183, %parallel_loop3A_184] {strides = array<i32>} : memref<128x128xf32, #tpu.memory_space<vmem>>, vector<16xf32>,
          tpu.vector_store %arg6[%parallel_loop3A_183, %parallel_loop3A_184], %parallel_loop3A_161 {strides = array<i32>} : memref<128x128xf32, #tpu.memory_space<vmem>>, vector<16xf32>,
          %parallel_loop3A_186 = arith.index_cast %parallel_loop3A_138 : i32 to index
          %parallel_loop3A_187 = arith.constant 112 : index
          %parallel_loop3A_188 = tpu.vector_load %arg6[%parallel_loop3A_186, %parallel_loop3A_187] {strides = array<i32>} : memref<128x128xf32, #tpu.memory_space<vmem>>, vector<16xf32>,
          tpu.vector_store %arg6[%parallel_loop3A_186, %parallel_loop3A_187], %parallel_loop3A_164 {strides = array<i32>} : memref<128x128xf32, #tpu.memory_space<vmem>>, vector<16xf32>,
        } {sc.loop_unroll_factor = 8 : i64, sc.parallel_access}
        %mul3A_133 = arith.constant 128 : i32
        %mul3A_134 = arith.muli %add3A_44, %mul3A_133 : i32
        %dma_start3A = arith.constant 0 : i32
        %dma_start3A_135 = tpu.memref_slice %arg3[%mul3A_134, %dma_start3A] : memref<325000x128xf32, #tpu.memory_space<hbm>> -> memref<128x128xf32, #tpu.memory_space<hbm>>
        %dma_start3A_136 = arith.constant 0 : i32
        %dma_start3A_137 = tpu.memref_slice %arg3[%mul3A_134, %dma_start3A_136] : memref<325000x128xf32, #tpu.memory_space<hbm>> -> memref<128x128xf32, #tpu.memory_space<hbm>>
        tpu.enqueue_dma source(%arg6 : memref<128x128xf32, #tpu.memory_space<vmem>>) target(%dma_start3A_137 : memref<128x128xf32, #tpu.memory_space<hbm>>) target_semaphore(%arg12 : memref<!tpu.dma_semaphore, #tpu.memory_space<semaphore_mem>>)
      } else {
      }
      %jit3A_69 = arith.constant 2 : i32
      %eq3A_70 = arith.constant 0 : i32
      %eq3A_71 = arith.cmpi eq, %jit3A_69, %eq3A_70 : i32
      %jit3A_72 = arith.constant 1 : i32
      %select_n3A_73 = arith.select %eq3A_71, %jit3A_72, %jit3A_69 : i32
      %rem3A_74 = arith.remsi %scan3A_41, %select_n3A_73 : i32
      %ne3A_75 = arith.constant 0 : i32
      %ne3A_76 = arith.cmpi ne, %rem3A_74, %ne3A_75 : i32
      %lt3A_77 = arith.constant 0 : i32
      %lt3A_78 = arith.cmpi slt, %rem3A_74, %lt3A_77 : i32
      %lt3A_79 = arith.constant 0 : i32
      %lt3A_80 = arith.cmpi slt, %select_n3A_73, %lt3A_79 : i32
      %ne3A_81 = arith.xori %lt3A_78, %lt3A_80 : i1
      %and3A_82 = arith.andi %ne3A_81, %ne3A_76 : i1
      %add3A_83 = arith.addi %rem3A_74, %select_n3A_73 : i32
      %select_n3A_84 = arith.select %and3A_82, %add3A_83, %rem3A_74 : i32
      %eq3A_85 = arith.constant 1 : i32
      %eq3A_86 = arith.cmpi eq, %select_n3A_84, %eq3A_85 : i32
      %lt3A_87 = arith.constant 2539 : i32
      %lt3A_88 = arith.cmpi slt, %add3A_44, %lt3A_87 : i32
      %and3A_89 = arith.andi %eq3A_86, %lt3A_88 : i1
      %convert_element_type3A_90 = arith.extui %and3A_89 : i1 to i32
      %cond3A_91 = arith.constant 0 : i32
      %cond3A_92 = arith.cmpi ne, %convert_element_type3A_90, %cond3A_91 : i32
      scf.if %cond3A_92 {
        %add3A_93 = arith.constant 32 : i32
        %add3A_94 = arith.addi %add3A_44, %add3A_93 : i32
        %lt3A_95 = arith.constant 2539 : i32
        %lt3A_96 = arith.cmpi slt, %add3A_94, %lt3A_95 : i32
        %convert_element_type3A_97 = arith.extui %lt3A_96 : i1 to i32
        %cond3A_98 = arith.constant 0 : i32
        %cond3A_99 = arith.cmpi ne, %convert_element_type3A_97, %cond3A_98 : i32
        scf.if %cond3A_99 {
          %add3A_138 = arith.constant 32 : i32
          %add3A_139 = arith.addi %add3A_44, %add3A_138 : i32
          %mul3A_140 = arith.constant 1024 : i32
          %mul3A_141 = arith.muli %add3A_139, %mul3A_140 : i32
          %dma_start3A_142 = arith.constant 0 : i32
          %dma_start3A_143 = arith.constant 0 : i32
          %dma_start3A_144 = tpu.memref_slice %arg4[%dma_start3A_142, %dma_start3A_143] : memref<16x1025xf32, #tpu.memory_space<vmem>> -> memref<16x1024xf32, #tpu.memory_space<vmem>>
          %dma_start3A_145 = arith.constant 0 : i32
          %dma_start3A_146 = tpu.memref_slice %arg2[%dma_start3A_145, %mul3A_141] : memref<16x2600000xf32, #tpu.memory_space<hbm>> -> memref<16x1024xf32, #tpu.memory_space<hbm>>
          %dma_start3A_147 = arith.constant 0 : i32
          %dma_start3A_148 = arith.constant 0 : i32
          %dma_start3A_149 = tpu.memref_slice %arg4[%dma_start3A_147, %dma_start3A_148] : memref<16x1025xf32, #tpu.memory_space<vmem>> -> memref<16x1024xf32, #tpu.memory_space<vmem>>
          %dma_start3A_150 = arith.constant 0 : i32
          %dma_start3A_151 = tpu.memref_slice %arg2[%dma_start3A_150, %mul3A_141] : memref<16x2600000xf32, #tpu.memory_space<hbm>> -> memref<16x1024xf32, #tpu.memory_space<hbm>>
          tpu.enqueue_dma source(%dma_start3A_151 : memref<16x1024xf32, #tpu.memory_space<hbm>>) target(%dma_start3A_149 : memref<16x1024xf32, #tpu.memory_space<vmem>>) target_semaphore(%arg10 : memref<!tpu.dma_semaphore, #tpu.memory_space<semaphore_mem>>)
        } else {
        }
        %dma_wait3A = arith.constant 0 : i32
        %dma_wait3A_100 = arith.constant 0 : i32
        %dma_wait3A_101 = tpu.memref_slice %arg5[%dma_wait3A, %dma_wait3A_100] : memref<16x1025xf32, #tpu.memory_space<vmem>> -> memref<16x1024xf32, #tpu.memory_space<vmem>>
        %dma_wait3A_102 = arith.constant 0 : i32
        %dma_wait3A_103 = arith.constant 0 : i32
        %dma_wait3A_104 = tpu.memref_slice %arg2[%dma_wait3A_102, %dma_wait3A_103] : memref<16x2600000xf32, #tpu.memory_space<hbm>> -> memref<16x1024xf32, #tpu.memory_space<hbm>>
        %dma_wait3A_105 = arith.constant 0 : i32
        %dma_wait3A_106 = arith.constant 0 : i32
        %dma_wait3A_107 = tpu.memref_slice %arg5[%dma_wait3A_105, %dma_wait3A_106] : memref<16x1025xf32, #tpu.memory_space<vmem>> -> memref<16x1024xf32, #tpu.memory_space<vmem>>
        %dma_wait3A_108 = arith.constant 0 : i32
        %dma_wait3A_109 = arith.constant 0 : i32
        %dma_wait3A_110 = tpu.memref_slice %arg2[%dma_wait3A_108, %dma_wait3A_109] : memref<16x2600000xf32, #tpu.memory_space<hbm>> -> memref<16x1024xf32, #tpu.memory_space<hbm>>
        tpu.wait_dma2 semaphore(%arg11 : memref<!tpu.dma_semaphore, #tpu.memory_space<semaphore_mem>>) src(%dma_wait3A_110 : memref<16x1024xf32, #tpu.memory_space<hbm>>) dst(%dma_wait3A_107 : memref<16x1024xf32, #tpu.memory_space<vmem>>)
        %ge3A_111 = arith.constant 2 : i32
        %ge3A_112 = arith.cmpi sge, %scan3A_41, %ge3A_111 : i32
        %convert_element_type3A_113 = arith.extui %ge3A_112 : i1 to i32
        %cond3A_114 = arith.constant 0 : i32
        %cond3A_115 = arith.cmpi ne, %convert_element_type3A_113, %cond3A_114 : i32
        scf.if %cond3A_115 {
          %dma_wait3A_138 = arith.constant 0 : i32
          %dma_wait3A_139 = arith.constant 0 : i32
          %dma_wait3A_140 = tpu.memref_slice %arg3[%dma_wait3A_138, %dma_wait3A_139] : memref<325000x128xf32, #tpu.memory_space<hbm>> -> memref<128x128xf32, #tpu.memory_space<hbm>>
          %dma_wait3A_141 = arith.constant 0 : i32
          %dma_wait3A_142 = arith.constant 0 : i32
          %dma_wait3A_143 = tpu.memref_slice %arg3[%dma_wait3A_141, %dma_wait3A_142] : memref<325000x128xf32, #tpu.memory_space<hbm>> -> memref<128x128xf32, #tpu.memory_space<hbm>>
          tpu.wait_dma2 semaphore(%arg13 : memref<!tpu.dma_semaphore, #tpu.memory_space<semaphore_mem>>) src(%arg7 : memref<128x128xf32, #tpu.memory_space<vmem>>) dst(%dma_wait3A_143 : memref<128x128xf32, #tpu.memory_space<hbm>>)
        } else {
        }
        %iota3A = tpu.iota {dimensions = array<i32: 0>} : vector<16xi32>
        %broadcast_in_dim3A = arith.constant 0 : i32
        %broadcast_in_dim3A_116 = vector.broadcast %broadcast_in_dim3A : i32 to vector<16xi32>
        %broadcast_in_dim3A_117 = arith.constant 1 : i32
        %broadcast_in_dim3A_118 = vector.broadcast %broadcast_in_dim3A_117 : i32 to vector<16xi32>
        %broadcast_in_dim3A_119 = arith.constant 2 : i32
        %broadcast_in_dim3A_120 = vector.broadcast %broadcast_in_dim3A_119 : i32 to vector<16xi32>
        %broadcast_in_dim3A_121 = arith.constant 3 : i32
        %broadcast_in_dim3A_122 = vector.broadcast %broadcast_in_dim3A_121 : i32 to vector<16xi32>
        %broadcast_in_dim3A_123 = arith.constant 4 : i32
        %broadcast_in_dim3A_124 = vector.broadcast %broadcast_in_dim3A_123 : i32 to vector<16xi32>
        %broadcast_in_dim3A_125 = arith.constant 5 : i32
        %broadcast_in_dim3A_126 = vector.broadcast %broadcast_in_dim3A_125 : i32 to vector<16xi32>
        %broadcast_in_dim3A_127 = arith.constant 6 : i32
        %broadcast_in_dim3A_128 = vector.broadcast %broadcast_in_dim3A_127 : i32 to vector<16xi32>
        %broadcast_in_dim3A_129 = arith.constant 7 : i32
        %broadcast_in_dim3A_130 = vector.broadcast %broadcast_in_dim3A_129 : i32 to vector<16xi32>
        %parallel_loop3A = arith.constant 0 : i32
        %parallel_loop3A_131 = arith.constant 128 : i32
        %parallel_loop3A_132 = arith.constant 1 : i32
        scf.for %parallel_loop3A_138 = %parallel_loop3A to %parallel_loop3A_131 step %parallel_loop3A_132  : i32 {
          %parallel_loop3A_139 = arith.constant 8 : i32
          %parallel_loop3A_140 = arith.muli %parallel_loop3A_138, %parallel_loop3A_139 : i32
          %parallel_loop3A_141 = vector.broadcast %parallel_loop3A_140 : i32 to vector<16xi32>
          %parallel_loop3A_142 = arith.addi %broadcast_in_dim3A_116, %parallel_loop3A_141 : vector<16xi32>
          %parallel_loop3A_143 = tpu.vector_load_idx %arg5[%iota3A, %parallel_loop3A_142] : memref<16x1025xf32, #tpu.memory_space<vmem>>[vector<16xi32>, vector<16xi32>], vector<16xf32>,
          %parallel_loop3A_144 = vector.broadcast %parallel_loop3A_140 : i32 to vector<16xi32>
          %parallel_loop3A_145 = arith.addi %broadcast_in_dim3A_118, %parallel_loop3A_144 : vector<16xi32>
          %parallel_loop3A_146 = tpu.vector_load_idx %arg5[%iota3A, %parallel_loop3A_145] : memref<16x1025xf32, #tpu.memory_space<vmem>>[vector<16xi32>, vector<16xi32>], vector<16xf32>,
          %parallel_loop3A_147 = vector.broadcast %parallel_loop3A_140 : i32 to vector<16xi32>
          %parallel_loop3A_148 = arith.addi %broadcast_in_dim3A_120, %parallel_loop3A_147 : vector<16xi32>
          %parallel_loop3A_149 = tpu.vector_load_idx %arg5[%iota3A, %parallel_loop3A_148] : memref<16x1025xf32, #tpu.memory_space<vmem>>[vector<16xi32>, vector<16xi32>], vector<16xf32>,
          %parallel_loop3A_150 = vector.broadcast %parallel_loop3A_140 : i32 to vector<16xi32>
          %parallel_loop3A_151 = arith.addi %broadcast_in_dim3A_122, %parallel_loop3A_150 : vector<16xi32>
          %parallel_loop3A_152 = tpu.vector_load_idx %arg5[%iota3A, %parallel_loop3A_151] : memref<16x1025xf32, #tpu.memory_space<vmem>>[vector<16xi32>, vector<16xi32>], vector<16xf32>,
          %parallel_loop3A_153 = vector.broadcast %parallel_loop3A_140 : i32 to vector<16xi32>
          %parallel_loop3A_154 = arith.addi %broadcast_in_dim3A_124, %parallel_loop3A_153 : vector<16xi32>
          %parallel_loop3A_155 = tpu.vector_load_idx %arg5[%iota3A, %parallel_loop3A_154] : memref<16x1025xf32, #tpu.memory_space<vmem>>[vector<16xi32>, vector<16xi32>], vector<16xf32>,
          %parallel_loop3A_156 = vector.broadcast %parallel_loop3A_140 : i32 to vector<16xi32>
          %parallel_loop3A_157 = arith.addi %broadcast_in_dim3A_126, %parallel_loop3A_156 : vector<16xi32>
          %parallel_loop3A_158 = tpu.vector_load_idx %arg5[%iota3A, %parallel_loop3A_157] : memref<16x1025xf32, #tpu.memory_space<vmem>>[vector<16xi32>, vector<16xi32>], vector<16xf32>,
          %parallel_loop3A_159 = vector.broadcast %parallel_loop3A_140 : i32 to vector<16xi32>
          %parallel_loop3A_160 = arith.addi %broadcast_in_dim3A_128, %parallel_loop3A_159 : vector<16xi32>
          %parallel_loop3A_161 = tpu.vector_load_idx %arg5[%iota3A, %parallel_loop3A_160] : memref<16x1025xf32, #tpu.memory_space<vmem>>[vector<16xi32>, vector<16xi32>], vector<16xf32>,
          %parallel_loop3A_162 = vector.broadcast %parallel_loop3A_140 : i32 to vector<16xi32>
          %parallel_loop3A_163 = arith.addi %broadcast_in_dim3A_130, %parallel_loop3A_162 : vector<16xi32>
          %parallel_loop3A_164 = tpu.vector_load_idx %arg5[%iota3A, %parallel_loop3A_163] : memref<16x1025xf32, #tpu.memory_space<vmem>>[vector<16xi32>, vector<16xi32>], vector<16xf32>,
          %parallel_loop3A_165 = arith.index_cast %parallel_loop3A_138 : i32 to index
          %parallel_loop3A_166 = arith.constant 0 : index
          %parallel_loop3A_167 = tpu.vector_load %arg7[%parallel_loop3A_165, %parallel_loop3A_166] {strides = array<i32>} : memref<128x128xf32, #tpu.memory_space<vmem>>, vector<16xf32>,
          tpu.vector_store %arg7[%parallel_loop3A_165, %parallel_loop3A_166], %parallel_loop3A_143 {strides = array<i32>} : memref<128x128xf32, #tpu.memory_space<vmem>>, vector<16xf32>,
          %parallel_loop3A_168 = arith.index_cast %parallel_loop3A_138 : i32 to index
          %parallel_loop3A_169 = arith.constant 16 : index
          %parallel_loop3A_170 = tpu.vector_load %arg7[%parallel_loop3A_168, %parallel_loop3A_169] {strides = array<i32>} : memref<128x128xf32, #tpu.memory_space<vmem>>, vector<16xf32>,
          tpu.vector_store %arg7[%parallel_loop3A_168, %parallel_loop3A_169], %parallel_loop3A_146 {strides = array<i32>} : memref<128x128xf32, #tpu.memory_space<vmem>>, vector<16xf32>,
          %parallel_loop3A_171 = arith.index_cast %parallel_loop3A_138 : i32 to index
          %parallel_loop3A_172 = arith.constant 32 : index
          %parallel_loop3A_173 = tpu.vector_load %arg7[%parallel_loop3A_171, %parallel_loop3A_172] {strides = array<i32>} : memref<128x128xf32, #tpu.memory_space<vmem>>, vector<16xf32>,
          tpu.vector_store %arg7[%parallel_loop3A_171, %parallel_loop3A_172], %parallel_loop3A_149 {strides = array<i32>} : memref<128x128xf32, #tpu.memory_space<vmem>>, vector<16xf32>,
          %parallel_loop3A_174 = arith.index_cast %parallel_loop3A_138 : i32 to index
          %parallel_loop3A_175 = arith.constant 48 : index
          %parallel_loop3A_176 = tpu.vector_load %arg7[%parallel_loop3A_174, %parallel_loop3A_175] {strides = array<i32>} : memref<128x128xf32, #tpu.memory_space<vmem>>, vector<16xf32>,
          tpu.vector_store %arg7[%parallel_loop3A_174, %parallel_loop3A_175], %parallel_loop3A_152 {strides = array<i32>} : memref<128x128xf32, #tpu.memory_space<vmem>>, vector<16xf32>,
          %parallel_loop3A_177 = arith.index_cast %parallel_loop3A_138 : i32 to index
          %parallel_loop3A_178 = arith.constant 64 : index
          %parallel_loop3A_179 = tpu.vector_load %arg7[%parallel_loop3A_177, %parallel_loop3A_178] {strides = array<i32>} : memref<128x128xf32, #tpu.memory_space<vmem>>, vector<16xf32>,
          tpu.vector_store %arg7[%parallel_loop3A_177, %parallel_loop3A_178], %parallel_loop3A_155 {strides = array<i32>} : memref<128x128xf32, #tpu.memory_space<vmem>>, vector<16xf32>,
          %parallel_loop3A_180 = arith.index_cast %parallel_loop3A_138 : i32 to index
          %parallel_loop3A_181 = arith.constant 80 : index
          %parallel_loop3A_182 = tpu.vector_load %arg7[%parallel_loop3A_180, %parallel_loop3A_181] {strides = array<i32>} : memref<128x128xf32, #tpu.memory_space<vmem>>, vector<16xf32>,
          tpu.vector_store %arg7[%parallel_loop3A_180, %parallel_loop3A_181], %parallel_loop3A_158 {strides = array<i32>} : memref<128x128xf32, #tpu.memory_space<vmem>>, vector<16xf32>,
          %parallel_loop3A_183 = arith.index_cast %parallel_loop3A_138 : i32 to index
          %parallel_loop3A_184 = arith.constant 96 : index
          %parallel_loop3A_185 = tpu.vector_load %arg7[%parallel_loop3A_183, %parallel_loop3A_184] {strides = array<i32>} : memref<128x128xf32, #tpu.memory_space<vmem>>, vector<16xf32>,
          tpu.vector_store %arg7[%parallel_loop3A_183, %parallel_loop3A_184], %parallel_loop3A_161 {strides = array<i32>} : memref<128x128xf32, #tpu.memory_space<vmem>>, vector<16xf32>,
          %parallel_loop3A_186 = arith.index_cast %parallel_loop3A_138 : i32 to index
          %parallel_loop3A_187 = arith.constant 112 : index
          %parallel_loop3A_188 = tpu.vector_load %arg7[%parallel_loop3A_186, %parallel_loop3A_187] {strides = array<i32>} : memref<128x128xf32, #tpu.memory_space<vmem>>, vector<16xf32>,
          tpu.vector_store %arg7[%parallel_loop3A_186, %parallel_loop3A_187], %parallel_loop3A_164 {strides = array<i32>} : memref<128x128xf32, #tpu.memory_space<vmem>>, vector<16xf32>,
        } {sc.loop_unroll_factor = 8 : i64, sc.parallel_access}
        %mul3A_133 = arith.constant 128 : i32
        %mul3A_134 = arith.muli %add3A_44, %mul3A_133 : i32
        %dma_start3A = arith.constant 0 : i32
        %dma_start3A_135 = tpu.memref_slice %arg3[%mul3A_134, %dma_start3A] : memref<325000x128xf32, #tpu.memory_space<hbm>> -> memref<128x128xf32, #tpu.memory_space<hbm>>
        %dma_start3A_136 = arith.constant 0 : i32
        %dma_start3A_137 = tpu.memref_slice %arg3[%mul3A_134, %dma_start3A_136] : memref<325000x128xf32, #tpu.memory_space<hbm>> -> memref<128x128xf32, #tpu.memory_space<hbm>>
        tpu.enqueue_dma source(%arg7 : memref<128x128xf32, #tpu.memory_space<vmem>>) target(%dma_start3A_137 : memref<128x128xf32, #tpu.memory_space<hbm>>) target_semaphore(%arg13 : memref<!tpu.dma_semaphore, #tpu.memory_space<semaphore_mem>>)
      } else {
      }
    }
    %scan3A_7 = arith.constant 80 : i32
    %sub3A = arith.constant 2538 : i32
    %sub3A_8 = arith.subi %sub3A, %add3A : i32
    %jit3A = arith.constant 32 : i32
    %div3A = arith.divsi %sub3A_8, %jit3A : i32
    %sign3A = arith.constant 0 : i32
    %sign3A_9 = arith.cmpi sgt, %sub3A_8, %sign3A : i32
    %sign3A_10 = arith.extui %sign3A_9 : i1 to i32
    %sign3A_11 = arith.constant 0 : i32
    %sign3A_12 = arith.cmpi slt, %sub3A_8, %sign3A_11 : i32
    %sign3A_13 = arith.extui %sign3A_12 : i1 to i32
    %sign3A_14 = arith.subi %sign3A_10, %sign3A_13 : i32
    %sign3A_15 = arith.constant 0 : i32
    %sign3A_16 = arith.cmpi sgt, %jit3A, %sign3A_15 : i32
    %sign3A_17 = arith.extui %sign3A_16 : i1 to i32
    %sign3A_18 = arith.constant 0 : i32
    %sign3A_19 = arith.cmpi slt, %jit3A, %sign3A_18 : i32
    %sign3A_20 = arith.extui %sign3A_19 : i1 to i32
    %sign3A_21 = arith.subi %sign3A_17, %sign3A_20 : i32
    %ne3A = arith.cmpi ne, %sign3A_14, %sign3A_21 : i32
    %rem3A = arith.remsi %sub3A_8, %jit3A : i32
    %ne3A_22 = arith.constant 0 : i32
    %ne3A_23 = arith.cmpi ne, %rem3A, %ne3A_22 : i32
    %and3A = arith.andi %ne3A, %ne3A_23 : i1
    %sub3A_24 = arith.constant 1 : i32
    %sub3A_25 = arith.subi %div3A, %sub3A_24 : i32
    %select_n3A = arith.select %and3A, %sub3A_25, %div3A : i32
    %add3A_26 = arith.constant 1 : i32
    %add3A_27 = arith.addi %select_n3A, %add3A_26 : i32
    %ge3A = arith.constant 1 : i32
    %ge3A_28 = arith.cmpi sge, %add3A_27, %ge3A : i32
    %convert_element_type3A_29 = arith.extui %ge3A_28 : i1 to i32
    %cond3A_30 = arith.constant 0 : i32
    %cond3A_31 = arith.cmpi ne, %convert_element_type3A_29, %cond3A_30 : i32
    scf.if %cond3A_31 {
      %dma_wait3A = arith.constant 0 : i32
      %dma_wait3A_41 = arith.constant 0 : i32
      %dma_wait3A_42 = tpu.memref_slice %arg3[%dma_wait3A, %dma_wait3A_41] : memref<325000x128xf32, #tpu.memory_space<hbm>> -> memref<128x128xf32, #tpu.memory_space<hbm>>
      %dma_wait3A_43 = arith.constant 0 : i32
      %dma_wait3A_44 = arith.constant 0 : i32
      %dma_wait3A_45 = tpu.memref_slice %arg3[%dma_wait3A_43, %dma_wait3A_44] : memref<325000x128xf32, #tpu.memory_space<hbm>> -> memref<128x128xf32, #tpu.memory_space<hbm>>
      tpu.wait_dma2 semaphore(%arg12 : memref<!tpu.dma_semaphore, #tpu.memory_space<semaphore_mem>>) src(%arg6 : memref<128x128xf32, #tpu.memory_space<vmem>>) dst(%dma_wait3A_45 : memref<128x128xf32, #tpu.memory_space<hbm>>)
    } else {
    }
    %ge3A_32 = arith.constant 2 : i32
    %ge3A_33 = arith.cmpi sge, %add3A_27, %ge3A_32 : i32
    %convert_element_type3A_34 = arith.extui %ge3A_33 : i1 to i32
    %cond3A_35 = arith.constant 0 : i32
    %cond3A_36 = arith.cmpi ne, %convert_element_type3A_34, %cond3A_35 : i32
    scf.if %cond3A_36 {
      %dma_wait3A = arith.constant 0 : i32
      %dma_wait3A_41 = arith.constant 0 : i32
      %dma_wait3A_42 = tpu.memref_slice %arg3[%dma_wait3A, %dma_wait3A_41] : memref<325000x128xf32, #tpu.memory_space<hbm>> -> memref<128x128xf32, #tpu.memory_space<hbm>>
      %dma_wait3A_43 = arith.constant 0 : i32
      %dma_wait3A_44 = arith.constant 0 : i32
      %dma_wait3A_45 = tpu.memref_slice %arg3[%dma_wait3A_43, %dma_wait3A_44] : memref<325000x128xf32, #tpu.memory_space<hbm>> -> memref<128x128xf32, #tpu.memory_space<hbm>>
      tpu.wait_dma2 semaphore(%arg13 : memref<!tpu.dma_semaphore, #tpu.memory_space<semaphore_mem>>) src(%arg7 : memref<128x128xf32, #tpu.memory_space<vmem>>) dst(%dma_wait3A_45 : memref<128x128xf32, #tpu.memory_space<hbm>>)
    } else {
    }
    %eq3A = arith.constant 0 : i32
    %eq3A_37 = arith.cmpi eq, %add3A, %eq3A : i32
    %convert_element_type3A_38 = arith.extui %eq3A_37 : i1 to i32
    %cond3A_39 = arith.constant 0 : i32
    %cond3A_40 = arith.cmpi ne, %convert_element_type3A_38, %cond3A_39 : i32
    scf.if %cond3A_40 {
      "tpu.region"() ({
        %run_scoped3A = tpu.sem_alloc : memref<!tpu.dma_semaphore, #tpu.memory_space<semaphore_mem>>
        %dma_start3A = arith.constant 0 : i32
        %dma_start3A_58 = arith.constant 2599936 : i32
        %dma_start3A_59 = tpu.memref_slice %arg2[%dma_start3A, %dma_start3A_58] : memref<16x2600000xf32, #tpu.memory_space<hbm>> -> memref<16x64xf32, #tpu.memory_space<hbm>>
        %dma_start3A_60 = arith.constant 0 : i32
        %dma_start3A_61 = arith.constant 2599936 : i32
        %dma_start3A_62 = tpu.memref_slice %arg2[%dma_start3A_60, %dma_start3A_61] : memref<16x2600000xf32, #tpu.memory_space<hbm>> -> memref<16x64xf32, #tpu.memory_space<hbm>>
        tpu.enqueue_dma source(%dma_start3A_62 : memref<16x64xf32, #tpu.memory_space<hbm>>) target(%arg9 : memref<16x64xf32, #tpu.memory_space<vmem>>) target_semaphore(%run_scoped3A : memref<!tpu.dma_semaphore, #tpu.memory_space<semaphore_mem>>)
        %dma_wait3A = arith.constant 0 : i32
        %dma_wait3A_63 = arith.constant 2599936 : i32
        %dma_wait3A_64 = tpu.memref_slice %arg2[%dma_wait3A, %dma_wait3A_63] : memref<16x2600000xf32, #tpu.memory_space<hbm>> -> memref<16x64xf32, #tpu.memory_space<hbm>>
        %dma_wait3A_65 = arith.constant 0 : i32
        %dma_wait3A_66 = arith.constant 2599936 : i32
        %dma_wait3A_67 = tpu.memref_slice %arg2[%dma_wait3A_65, %dma_wait3A_66] : memref<16x2600000xf32, #tpu.memory_space<hbm>> -> memref<16x64xf32, #tpu.memory_space<hbm>>
        tpu.wait_dma2 semaphore(%run_scoped3A : memref<!tpu.dma_semaphore, #tpu.memory_space<semaphore_mem>>) src(%dma_wait3A_67 : memref<16x64xf32, #tpu.memory_space<hbm>>) dst(%arg9 : memref<16x64xf32, #tpu.memory_space<vmem>>)
        tpu.yield
      }) : () -> ()
      %iota3A = tpu.iota {dimensions = array<i32: 0>} : vector<16xi32>
      %broadcast_in_dim3A = arith.constant 0 : i32
      %broadcast_in_dim3A_41 = vector.broadcast %broadcast_in_dim3A : i32 to vector<16xi32>
      %broadcast_in_dim3A_42 = arith.constant 1 : i32
      %broadcast_in_dim3A_43 = vector.broadcast %broadcast_in_dim3A_42 : i32 to vector<16xi32>
      %broadcast_in_dim3A_44 = arith.constant 2 : i32
      %broadcast_in_dim3A_45 = vector.broadcast %broadcast_in_dim3A_44 : i32 to vector<16xi32>
      %broadcast_in_dim3A_46 = arith.constant 3 : i32
      %broadcast_in_dim3A_47 = vector.broadcast %broadcast_in_dim3A_46 : i32 to vector<16xi32>
      %broadcast_in_dim3A_48 = arith.constant 4 : i32
      %broadcast_in_dim3A_49 = vector.broadcast %broadcast_in_dim3A_48 : i32 to vector<16xi32>
      %broadcast_in_dim3A_50 = arith.constant 5 : i32
      %broadcast_in_dim3A_51 = vector.broadcast %broadcast_in_dim3A_50 : i32 to vector<16xi32>
      %broadcast_in_dim3A_52 = arith.constant 6 : i32
      %broadcast_in_dim3A_53 = vector.broadcast %broadcast_in_dim3A_52 : i32 to vector<16xi32>
      %broadcast_in_dim3A_54 = arith.constant 7 : i32
      %broadcast_in_dim3A_55 = vector.broadcast %broadcast_in_dim3A_54 : i32 to vector<16xi32>
      %parallel_loop3A = arith.constant 0 : i32
      %parallel_loop3A_56 = arith.constant 8 : i32
      %parallel_loop3A_57 = arith.constant 1 : i32
      scf.for %parallel_loop3A_58 = %parallel_loop3A to %parallel_loop3A_56 step %parallel_loop3A_57  : i32 {
        %parallel_loop3A_59 = arith.constant 8 : i32
        %parallel_loop3A_60 = arith.muli %parallel_loop3A_58, %parallel_loop3A_59 : i32
        %parallel_loop3A_61 = vector.broadcast %parallel_loop3A_60 : i32 to vector<16xi32>
        %parallel_loop3A_62 = arith.addi %broadcast_in_dim3A_41, %parallel_loop3A_61 : vector<16xi32>
        %parallel_loop3A_63 = tpu.vector_load_idx %arg9[%iota3A, %parallel_loop3A_62] : memref<16x64xf32, #tpu.memory_space<vmem>>[vector<16xi32>, vector<16xi32>], vector<16xf32>,
        %parallel_loop3A_64 = vector.broadcast %parallel_loop3A_60 : i32 to vector<16xi32>
        %parallel_loop3A_65 = arith.addi %broadcast_in_dim3A_43, %parallel_loop3A_64 : vector<16xi32>
        %parallel_loop3A_66 = tpu.vector_load_idx %arg9[%iota3A, %parallel_loop3A_65] : memref<16x64xf32, #tpu.memory_space<vmem>>[vector<16xi32>, vector<16xi32>], vector<16xf32>,
        %parallel_loop3A_67 = vector.broadcast %parallel_loop3A_60 : i32 to vector<16xi32>
        %parallel_loop3A_68 = arith.addi %broadcast_in_dim3A_45, %parallel_loop3A_67 : vector<16xi32>
        %parallel_loop3A_69 = tpu.vector_load_idx %arg9[%iota3A, %parallel_loop3A_68] : memref<16x64xf32, #tpu.memory_space<vmem>>[vector<16xi32>, vector<16xi32>], vector<16xf32>,
        %parallel_loop3A_70 = vector.broadcast %parallel_loop3A_60 : i32 to vector<16xi32>
        %parallel_loop3A_71 = arith.addi %broadcast_in_dim3A_47, %parallel_loop3A_70 : vector<16xi32>
        %parallel_loop3A_72 = tpu.vector_load_idx %arg9[%iota3A, %parallel_loop3A_71] : memref<16x64xf32, #tpu.memory_space<vmem>>[vector<16xi32>, vector<16xi32>], vector<16xf32>,
        %parallel_loop3A_73 = vector.broadcast %parallel_loop3A_60 : i32 to vector<16xi32>
        %parallel_loop3A_74 = arith.addi %broadcast_in_dim3A_49, %parallel_loop3A_73 : vector<16xi32>
        %parallel_loop3A_75 = tpu.vector_load_idx %arg9[%iota3A, %parallel_loop3A_74] : memref<16x64xf32, #tpu.memory_space<vmem>>[vector<16xi32>, vector<16xi32>], vector<16xf32>,
        %parallel_loop3A_76 = vector.broadcast %parallel_loop3A_60 : i32 to vector<16xi32>
        %parallel_loop3A_77 = arith.addi %broadcast_in_dim3A_51, %parallel_loop3A_76 : vector<16xi32>
        %parallel_loop3A_78 = tpu.vector_load_idx %arg9[%iota3A, %parallel_loop3A_77] : memref<16x64xf32, #tpu.memory_space<vmem>>[vector<16xi32>, vector<16xi32>], vector<16xf32>,
        %parallel_loop3A_79 = vector.broadcast %parallel_loop3A_60 : i32 to vector<16xi32>
        %parallel_loop3A_80 = arith.addi %broadcast_in_dim3A_53, %parallel_loop3A_79 : vector<16xi32>
        %parallel_loop3A_81 = tpu.vector_load_idx %arg9[%iota3A, %parallel_loop3A_80] : memref<16x64xf32, #tpu.memory_space<vmem>>[vector<16xi32>, vector<16xi32>], vector<16xf32>,
        %parallel_loop3A_82 = vector.broadcast %parallel_loop3A_60 : i32 to vector<16xi32>
        %parallel_loop3A_83 = arith.addi %broadcast_in_dim3A_55, %parallel_loop3A_82 : vector<16xi32>
        %parallel_loop3A_84 = tpu.vector_load_idx %arg9[%iota3A, %parallel_loop3A_83] : memref<16x64xf32, #tpu.memory_space<vmem>>[vector<16xi32>, vector<16xi32>], vector<16xf32>,
        %parallel_loop3A_85 = arith.index_cast %parallel_loop3A_58 : i32 to index
        %parallel_loop3A_86 = arith.constant 0 : index
        %parallel_loop3A_87 = tpu.vector_load %arg8[%parallel_loop3A_85, %parallel_loop3A_86] {strides = array<i32>} : memref<8x128xf32, #tpu.memory_space<vmem>>, vector<16xf32>,
        tpu.vector_store %arg8[%parallel_loop3A_85, %parallel_loop3A_86], %parallel_loop3A_63 {strides = array<i32>} : memref<8x128xf32, #tpu.memory_space<vmem>>, vector<16xf32>,
        %parallel_loop3A_88 = arith.index_cast %parallel_loop3A_58 : i32 to index
        %parallel_loop3A_89 = arith.constant 16 : index
        %parallel_loop3A_90 = tpu.vector_load %arg8[%parallel_loop3A_88, %parallel_loop3A_89] {strides = array<i32>} : memref<8x128xf32, #tpu.memory_space<vmem>>, vector<16xf32>,
        tpu.vector_store %arg8[%parallel_loop3A_88, %parallel_loop3A_89], %parallel_loop3A_66 {strides = array<i32>} : memref<8x128xf32, #tpu.memory_space<vmem>>, vector<16xf32>,
        %parallel_loop3A_91 = arith.index_cast %parallel_loop3A_58 : i32 to index
        %parallel_loop3A_92 = arith.constant 32 : index
        %parallel_loop3A_93 = tpu.vector_load %arg8[%parallel_loop3A_91, %parallel_loop3A_92] {strides = array<i32>} : memref<8x128xf32, #tpu.memory_space<vmem>>, vector<16xf32>,
        tpu.vector_store %arg8[%parallel_loop3A_91, %parallel_loop3A_92], %parallel_loop3A_69 {strides = array<i32>} : memref<8x128xf32, #tpu.memory_space<vmem>>, vector<16xf32>,
        %parallel_loop3A_94 = arith.index_cast %parallel_loop3A_58 : i32 to index
        %parallel_loop3A_95 = arith.constant 48 : index
        %parallel_loop3A_96 = tpu.vector_load %arg8[%parallel_loop3A_94, %parallel_loop3A_95] {strides = array<i32>} : memref<8x128xf32, #tpu.memory_space<vmem>>, vector<16xf32>,
        tpu.vector_store %arg8[%parallel_loop3A_94, %parallel_loop3A_95], %parallel_loop3A_72 {strides = array<i32>} : memref<8x128xf32, #tpu.memory_space<vmem>>, vector<16xf32>,
        %parallel_loop3A_97 = arith.index_cast %parallel_loop3A_58 : i32 to index
        %parallel_loop3A_98 = arith.constant 64 : index
        %parallel_loop3A_99 = tpu.vector_load %arg8[%parallel_loop3A_97, %parallel_loop3A_98] {strides = array<i32>} : memref<8x128xf32, #tpu.memory_space<vmem>>, vector<16xf32>,
        tpu.vector_store %arg8[%parallel_loop3A_97, %parallel_loop3A_98], %parallel_loop3A_75 {strides = array<i32>} : memref<8x128xf32, #tpu.memory_space<vmem>>, vector<16xf32>,
        %parallel_loop3A_100 = arith.index_cast %parallel_loop3A_58 : i32 to index
        %parallel_loop3A_101 = arith.constant 80 : index
        %parallel_loop3A_102 = tpu.vector_load %arg8[%parallel_loop3A_100, %parallel_loop3A_101] {strides = array<i32>} : memref<8x128xf32, #tpu.memory_space<vmem>>, vector<16xf32>,
        tpu.vector_store %arg8[%parallel_loop3A_100, %parallel_loop3A_101], %parallel_loop3A_78 {strides = array<i32>} : memref<8x128xf32, #tpu.memory_space<vmem>>, vector<16xf32>,
        %parallel_loop3A_103 = arith.index_cast %parallel_loop3A_58 : i32 to index
        %parallel_loop3A_104 = arith.constant 96 : index
        %parallel_loop3A_105 = tpu.vector_load %arg8[%parallel_loop3A_103, %parallel_loop3A_104] {strides = array<i32>} : memref<8x128xf32, #tpu.memory_space<vmem>>, vector<16xf32>,
        tpu.vector_store %arg8[%parallel_loop3A_103, %parallel_loop3A_104], %parallel_loop3A_81 {strides = array<i32>} : memref<8x128xf32, #tpu.memory_space<vmem>>, vector<16xf32>,
        %parallel_loop3A_106 = arith.index_cast %parallel_loop3A_58 : i32 to index
        %parallel_loop3A_107 = arith.constant 112 : index
        %parallel_loop3A_108 = tpu.vector_load %arg8[%parallel_loop3A_106, %parallel_loop3A_107] {strides = array<i32>} : memref<8x128xf32, #tpu.memory_space<vmem>>, vector<16xf32>,
        tpu.vector_store %arg8[%parallel_loop3A_106, %parallel_loop3A_107], %parallel_loop3A_84 {strides = array<i32>} : memref<8x128xf32, #tpu.memory_space<vmem>>, vector<16xf32>,
      } {sc.loop_unroll_factor = 8 : i64, sc.parallel_access}
      "tpu.region"() ({
        %run_scoped3A = tpu.sem_alloc : memref<!tpu.dma_semaphore, #tpu.memory_space<semaphore_mem>>
        %dma_start3A = arith.constant 324992 : i32
        %dma_start3A_58 = arith.constant 0 : i32
        %dma_start3A_59 = tpu.memref_slice %arg3[%dma_start3A, %dma_start3A_58] : memref<325000x128xf32, #tpu.memory_space<hbm>> -> memref<8x128xf32, #tpu.memory_space<hbm>>
        %dma_start3A_60 = arith.constant 324992 : i32
        %dma_start3A_61 = arith.constant 0 : i32
        %dma_start3A_62 = tpu.memref_slice %arg3[%dma_start3A_60, %dma_start3A_61] : memref<325000x128xf32, #tpu.memory_space<hbm>> -> memref<8x128xf32, #tpu.memory_space<hbm>>
        tpu.enqueue_dma source(%arg8 : memref<8x128xf32, #tpu.memory_space<vmem>>) target(%dma_start3A_62 : memref<8x128xf32, #tpu.memory_space<hbm>>) target_semaphore(%run_scoped3A : memref<!tpu.dma_semaphore, #tpu.memory_space<semaphore_mem>>)
        %dma_wait3A = arith.constant 324992 : i32
        %dma_wait3A_63 = arith.constant 0 : i32
        %dma_wait3A_64 = tpu.memref_slice %arg3[%dma_wait3A, %dma_wait3A_63] : memref<325000x128xf32, #tpu.memory_space<hbm>> -> memref<8x128xf32, #tpu.memory_space<hbm>>
        %dma_wait3A_65 = arith.constant 324992 : i32
        %dma_wait3A_66 = arith.constant 0 : i32
        %dma_wait3A_67 = tpu.memref_slice %arg3[%dma_wait3A_65, %dma_wait3A_66] : memref<325000x128xf32, #tpu.memory_space<hbm>> -> memref<8x128xf32, #tpu.memory_space<hbm>>
        tpu.wait_dma2 semaphore(%run_scoped3A : memref<!tpu.dma_semaphore, #tpu.memory_space<semaphore_mem>>) src(%arg8 : memref<8x128xf32, #tpu.memory_space<vmem>>) dst(%dma_wait3A_67 : memref<8x128xf32, #tpu.memory_space<hbm>>)
        tpu.yield
      }) : () -> ()
    } else {
    }
    return
  }
}

</mosaic_0001>

<sc_bundles>
// kernel: _sc_detile.3.cloned.1.call-start
scs
__scs_entry_jumppad:
0x0: {  	(pc) =	sbr.rel $0x88, $3  }
0x1: {  	(tag) =	ssettag $0x0;
	lr =	simm.s32 $0x1  }
0x2: {  	[smem:$0x3FA0] =	sst lr;
	_ =	strace $0xD0000000  }
0x3: {  	_ = 	snop  }
0x4: {  	_ = 	snop  }
0x5: {  	_ = 	snop  }
0x6: {  	_ = 	snop  }
0x7: {  	_ = 	snop  }
__scs_overlays_trampoline_lowered:
0x8: {  	[smem:$0x3FAF] =	sst s0  }
0x9: {  	[smem:$0x3FB0] =	sst s1  }
0xa: {  	[smem:$0x3FB1] =	sst s2  }
0xb: {  	[smem:$0x3FB2] =	sst s3  }
0xc: {  	[smem:$0x3FB3] =	sst s4  }
0xd: {  	[smem:$0x3FB4] =	sst s5  }
0xe: {  	[smem:$0x3FB5] =	sst s6  }
0xf: {  	[smem:$0x3FB6] =	sst s7  }
0x10: {  	[smem:$0x3FB7] =	sst s8  }
0x11: {  	[smem:$0x3FB8] =	sst s9;
	s0 =	simm.s32 @!p0 $0x0  }
0x12: {  	s1 =	sld [smem:$0x3F9E];
	s0 =	simm.s32 @p0 $0x1  }
0x13: {  	[smem:$0x3FB9] =	sst s0;
	s0 =	simm.s32 @!p1 $0x0  }
0x14: {  	s2 =	sld [smem:$0x3F9D];
	s0 =	simm.s32 @p1 $0x1  }
0x15: {  	[smem:$0x3FBA] =	sst s0;
	s0 =	simm.s32 @!p2 $0x0  }
0x16: {  	s3 =	sld [smem:$0x3FDB];
	s0 =	simm.s32 @p2 $0x1  }
0x17: {  	s4 =	simm.s32 $0x1BF5;
	[smem:$0x3FBC] =	sst s0  }
0x18: {  	s0 =	sld [smem:$0x3F9F];
	_ =	swait.ge [sflag:s4], $0x0  }
0x19: {  	s7 =	sld [smem:$0x3FA0]  }
0x1a: {  	s8 =	sadd.s32 $0xFFFFE003, lr  }
0x1b: {  	s9 =	sadd.s32 $0xFFFFFEF7, lr;
	s5 =	simm.s32 $0xFFFFFFFF;
	p2 =	slt.u32 s8, $0xFFFFF086  }
0x1c: {  	p1 =	slt.u32 s9, $0xF7A;
	s5 =	simm.s32 @!p2 $0x0  }
0x1d: {  	s5 =	simm.s32 @p1 $0x1;
	p0 =	seq.s32 s7, s2  }
0x1e: {  	s7 =	smul.u32 @!p0 $0xF7A, s2;
	p2 =	seq.s32 @!p0 s5, $0x0  }
0x1f: {  	s9 =	smul.u32 $0xF7A, s1;
	s8 =	simm.s32 @!p0 $0x1BF5;
	p2 =	por !p2, p0  }
0x20: {  	[sflag:s8] =	ssyncset.s32 @!p0 $0xFFFFF086;
	s6 =	sadd.s32 @!p0 s3, s7;
	s7 =	simm.s32 @!p0 $0x108  }
0x21: {  	s3 =	sadd.s32 s3, s9;
	s6 =	sadd.s32 @!p0 $0x88, s6;
	s7 =	simm.s32 @p2 $0x1082  }
0x22: {  	[simem:s7], [sflag:s8] =	dma.local @!p0 [hbm:s6], $0xF7A  }
0x23: {  	s9 =	sor.u32 $0xD0000000, s2;
	s6 =	simm.s32 $0x108;
	_ =	swait.ge @!p0 [sflag:s8], $0x0  }
0x24: {  	s3 =	sadd.s32 $0x88, s3;
	s6 =	simm.s32 @!p1 $0x1082;
	[sflag:s4] =	ssyncset.s32 $0xFFFFF086  }
0x25: {  	[simem:s6], [sflag:s4] =	dma.local [hbm:s3], $0xF7A  }
0x26: {  	[smem:$0x3FA0] =	sst s1;
	(tag) =	ssettag s2;
	_ =	strace s9  }
0x27: {  	s1 =	sld [smem:$0x3FB0]  }
0x28: {  	s2 =	sld [smem:$0x3FB1]  }
0x29: {  	s4 =	sld [smem:$0x3FB3]  }
0x2a: {  	p0 =	seq.s32 s5, $0x0;
	s5 =	sld [smem:$0x3FB4]  }
0x2b: {  	s6 =	sld [smem:$0x3FB5]  }
0x2c: {  	s7 =	sld [smem:$0x3FB6]  }
0x2d: {  	s3 =	simm.s32 $0x108;
	s8 =	sld [smem:$0x3FB7]  }
0x2e: {  	s3 =	simm.s32 @!p0 $0x1082;
	s9 =	sld [smem:$0x3FB8]  }
0x2f: {  	lr =	sadd.s32 s0, s3;
	s0 =	sld [smem:$0x3FAF]  }
0x30: {  	s3 =	sld [smem:$0x3FB2]  }
0x31: {  	[smem:$0x3FBB] =	sst s10  }
0x32: {  	s10 =	sld [smem:$0x3FB9];
	_ =	sdelay $0x3  }
0x33: {  	p0 =	seq.s32 s10, $0x1;
	s10 =	sld [smem:$0x3FBB];
	_ =	sdelay $0x3  }
0x34: {  	[smem:$0x3FBB] =	sst s10  }
0x35: {  	s10 =	sld [smem:$0x3FBA];
	_ =	sdelay $0x3  }
0x36: {  	p1 =	seq.s32 s10, $0x1;
	s10 =	sld [smem:$0x3FBB];
	_ =	sdelay $0x3  }
0x37: {  	[smem:$0x3FBB] =	sst s10  }
0x38: {  	s10 =	sld [smem:$0x3FBC]  }
0x39: {  	_ = 	snop;
	(pc) =	sbr.ind lr, $3  }
0x3a: {  	_ = 	snop  }
0x3b: {  	_ = 	snop  }
0x3c: {  	p2 =	seq.s32 s10, $0x1;
	s10 =	sld [smem:$0x3FBB]  }
0x3d: {  	_ =	shalt  }
0x3e: {  	_ =	shalt  }
0x3f: {  	_ =	shalt  }
0x40: {  	_ =	shalt  }
0x41: {  	_ =	shalt  }
0x42: {  	_ =	shalt  }
0x43: {  	_ =	shalt  }
0x44: {  	_ =	shalt  }
0x45: {  	_ =	shalt  }
0x46: {  	_ =	shalt  }
0x47: {  	_ =	shalt  }
0x48: {  	_ =	shalt  }
0x49: {  	_ =	shalt  }
0x4a: {  	_ =	shalt  }
0x4b: {  	_ =	shalt  }
0x4c: {  	_ =	shalt  }
0x4d: {  	_ =	shalt  }
0x4e: {  	_ =	shalt  }
0x4f: {  	_ =	shalt  }
0x50: {  	_ =	shalt  }
0x51: {  	_ =	shalt  }
0x52: {  	_ =	shalt  }
0x53: {  	_ =	shalt  }
0x54: {  	_ =	shalt  }
0x55: {  	_ =	shalt  }
0x56: {  	_ =	shalt  }
0x57: {  	_ =	shalt  }
0x58: {  	_ =	shalt  }
0x59: {  	_ =	shalt  }
0x5a: {  	_ =	shalt  }
0x5b: {  	_ =	shalt  }
0x5c: {  	_ =	shalt  }
0x5d: {  	_ =	shalt  }
0x5e: {  	_ =	shalt  }
0x5f: {  	_ =	shalt  }
0x60: {  	_ =	shalt  }
0x61: {  	_ =	shalt  }
0x62: {  	_ =	shalt  }
0x63: {  	_ =	shalt  }
0x64: {  	_ =	shalt  }
0x65: {  	_ =	shalt  }
0x66: {  	_ =	shalt  }
0x67: {  	_ =	shalt  }
0x68: {  	_ =	shalt  }
0x69: {  	_ =	shalt  }
0x6a: {  	_ =	shalt  }
0x6b: {  	_ =	shalt  }
0x6c: {  	_ =	shalt  }
0x6d: {  	_ =	shalt  }
0x6e: {  	_ =	shalt  }
0x6f: {  	_ =	shalt  }
0x70: {  	_ =	shalt  }
0x71: {  	_ =	shalt  }
0x72: {  	_ =	shalt  }
0x73: {  	_ =	shalt  }
0x74: {  	_ =	shalt  }
0x75: {  	_ =	shalt  }
0x76: {  	_ =	shalt  }
0x77: {  	_ =	shalt  }
0x78: {  	_ =	shalt  }
0x79: {  	_ =	shalt  }
0x7a: {  	_ =	shalt  }
0x7b: {  	_ =	shalt  }
0x7c: {  	_ =	shalt  }
0x7d: {  	_ =	shalt  }
0x7e: {  	_ =	shalt  }
0x7f: {  	_ =	shalt  }
0x80: {  	_ =	shalt  }
0x81: {  	_ =	shalt  }
0x82: {  	_ =	shalt  }
0x83: {  	_ =	shalt  }
0x84: {  	_ =	shalt  }
0x85: {  	_ =	shalt  }
0x86: {  	_ =	shalt  }
0x87: {  	_ =	shalt  }
.Lfunc_end0:
.L_simem_size_0:
called_computation_lowered:
.L_overlay_start_0:
0x88: {  	s2 =	sld [smem:$0x3FD9]  }
0x89: {  	s3 =	sld [smem:$0x3FFE];
	_ =	sdelay $0x1  }
0x8a: {  	s1 =	srdreg.scid  }
0x8b: {  	s0 =	sand.u32 $0x1, s1  }
0x8c: {  	s18 =	sshll.u32 s0, $0xA;
	s2 =	sadd.s32 s3, s2  }
0x8d: {  	s2 =	sadd.s32 s2, s18  }
0x8e: {  	[smem:$0x3FC7] =	sst s2  }
0x8f: {  	_ = 	snop  }
0x90: {  	s2 =	sld [smem:$0x3FC9]  }
0x91: {  	s19 =	sld [smem:$0x3FD0];
	(tm) =	ssettm $0x1  }
0x92: {  	s4 =	sld [smem:$0x3FFB];
	_ =	sdelay $0x3  }
0x93: {  	_ =	strace s4  }
0x94: {  	s4 =	sld [smem:$0x3FFC];
	_ =	sdelay $0x3  }
0x95: {  	_ =	strace s4  }
0x96: {  	s4 =	sld [smem:$0x3FFD];
	_ =	sdelay $0x3  }
0x97: {  	_ =	strace s4  }
0x98: {  	_ =	strace $0x8FFFFFFF  }
0x99: {  	s20 =	sld [smem:$0x3FDB];
	_ =	sdelay $0x1  }
0x9a: {  	s5 =	simm.s32 $_scs_section_size  }
0x9b: {  	s6 =	simm.s32 $_size__tile_overlayer_lowered;
	s7 =	simm.s32 $_tile_overlayer_lowered  }
0x9c: {  	s23 =	simm.s32 $0x1BFF;
	s22 =	sshll.u32 s7, $0x1;
	s4 =	sadd.s32 s5, s20  }
0x9d: {  	s8 =	simm.s32 $0x0;
	s21 =	sshll.u32 s6, $0x1;
	s6 =	sadd.s32 s22, s4  }
0x9e: {  	[timem:s8], [sflag:s23] =	dma.local [hbm:s6], s21  }
0x9f: {  	_ =	swait.ge [sflag:s23], s21  }
0xa0: {  	s5 =	ssub.s32 $0x0, s21;
	[sflag:s23] =	ssyncset.done $0x0  }
0xa1: {  	[sflag:s23] =	ssyncadd.s32 s5;
	_ =	sdelay $0x1  }
0xa2: {  	s24 =	simm.s32 $0x1B8B  }
0xa3: {  	_ =	swait.ge [sflag:s24], $0x1  }
0xa4: {  	[sflag:s24] =	ssyncset.done $0x0  }
0xa5: {  	s25 =	simm.s32 $0x1B8E;
	[sflag:s24] =	ssyncadd.s32 $0xFFFFFFFF  }
0xa6: {  	s26 =	simm.s32 $execute0_lowered;
	[smem:$0x3FD2] =	sst s25  }
0xa7: {  	s5 =	sshll.u32 s26, $0x1;
	_ =	strace $0x80000046;
	[dreg:$0x1] =	wrdreg $0xFFFFFFFF  }
0xa8: {  	s28 =	simm.s32 $_size_execute0_lowered;
	s4 =	sadd.s32 s4, s5;
	[dreg:$0x0] =	wrdreg $0x0  }
0xa9: {  	s5 =	sshll.u32 s28, $0x1;
	[dreg:$0x2] =	wrdreg s4  }
0xaa: {  	[dreg:$0x3] =	wrdreg s5  }
0xab: {  	[dreg:$0x4] =	wrdreg $0xC0  }
0xac: {  	_ =	task [dreg:s8], $0x5FFFF  }
0xad: {  	[dreg:$0x1] =	wrdreg $0xFFFFFFFF  }
0xae: {  	[dreg:$0x0] =	wrdreg $0x60  }
0xaf: {  	[dreg:$0x2] =	wrdreg s2  }
0xb0: {  	[dreg:$0x3] =	wrdreg s19  }
0xb1: {  	[dreg:$0x4] =	wrdreg $0x9  }
0xb2: {  	_ =	task.clear_ibuf [dreg:s8], $0x5FFFF;
	_ =	strace $0x90000046  }
0xb3: {  	s29 =	simm.s32 $0x9;
	_ =	strace $0x80000048  }
0xb4: {  	_ =	swait.ge [sflag:s29], $0x1  }
0xb5: {  	[sflag:s29] =	ssyncadd.s32 $0xFFFFFFFF  }
0xb6: {  	_ =	strace $0x90000048  }
0xb7: {  	_ =	sfence  }
0xb8: {  	s30 =	sld [smem:$0x0];
	_ =	sdelay $0x2  }
0xb9: {  	s31 =	sshll.u32 s1, $0xD;
	s1 =	sshrl.u32 s1, $0x2  }
0xba: {  	s3 =	sand.u32 $0x4000, s31;
	s1 =	sadd.s32 s1, s30  }
0xbb: {  	s0 =	sor.u32 s3, s0;
	s1 =	sshll.u32 s1, $0x11  }
0xbc: {  	s0 =	sor.u32 s1, s0  }
0xbd: {  	s0 =	sadd.s32 $0x8F2B, s0  }
0xbe: {  	[sflag:s0] =	ssyncadd.remote.s32 $0x1  }
0xbf: {  	_ =	sfence.sel $0xFFFF  }
0xc0: {  	[dreg:$0x0] =	wrdreg $0xFFFFFFFF;
	(pc) =	sbr.abs _section_cstart, $3  }
0xc1: {  	[dreg:$0x1] =	wrdreg $0xFFFFFFFF  }
0xc2: {  	_ =	task.clear_ibuf [dreg:s8], $0x2FFFF;
	_ =	strace $0x9FFFFFFF  }
0xc3: {  	(tm) =	ssettm $0x7FFFFFFF  }
tec
execute0_lowered:
.L_overlay_start_1:
0x0: {  	(tag) =	ssettag $0x1  }
0x1: {  	v0 =	vimm.s32 $0x2780  }
0x2: {  	vm14 =	vcmask $0x300;
	vm6 =	vcmask $0x704;
	v1 =	vimm.s32 $0x2783  }
0x3: {  	vm7 =	vcmask $0xB08;
	vm8 =	vcmask $0xF0C;
	vm9 =	vcmask $0x1310  }
0x4: {  	vm10 =	vcmask $0x1714;
	vm11 =	vcmask $0x1B18;
	vm12 =	vcmask $0x1F1C  }
0x5: {  	vm13 =	vcmask $0x2320;
	vm5 =	vcmask $0x2724;
	vm4 =	vcmask $0x2B28  }
0x6: {  	vm3 =	vcmask $0x2F2C;
	vm2 =	vcmask $0x3330;
	vm1 =	vcmask $0x3734  }
0x7: {  	vm0 =	vcmask $0x3B38;
	v2 =	vimm.s32 $0x2781;
	v3 =	vimm.s32 $0x2782  }
0x8: {  	v4 =	vimm.s32 $0x2784;
	v5 =	vimm.s32 $0x2785;
	v6 =	vimm.s32 $0x2786  }
0x9: {  	v7 =	vimm.s32 $0x2787;
	v0 =	vsel vm14, $0x0, v0;
	v1 =	vsel vm14, $0x3, v1  }
0xa: {  	v2 =	vsel vm14, $0x1, v2;
	v3 =	vsel vm14, $0x2, v3;
	v4 =	vsel vm14, $0x4, v4  }
0xb: {  	v5 =	vsel vm14, $0x5, v5;
	v6 =	vsel vm14, $0x6, v6;
	v7 =	vsel vm14, $0x7, v7  }
0xc: {  	v0 =	vsel vm6, $0x80, v0;
	v1 =	vsel vm6, $0x83, v1;
	v2 =	vsel vm6, $0x81, v2  }
0xd: {  	v3 =	vsel vm6, $0x82, v3;
	v4 =	vsel vm6, $0x84, v4;
	v5 =	vsel vm6, $0x85, v5  }
0xe: {  	v6 =	vsel vm6, $0x86, v6;
	v7 =	vsel vm6, $0x87, v7;
	v0 =	vsel vm7, $0x100, v0  }
0xf: {  	v1 =	vsel vm7, $0x103, v1;
	v2 =	vsel vm7, $0x101, v2;
	v3 =	vsel vm7, $0x102, v3  }
0x10: {  	v4 =	vsel vm7, $0x104, v4;
	v5 =	vsel vm7, $0x105, v5;
	v6 =	vsel vm7, $0x106, v6  }
0x11: {  	v7 =	vsel vm7, $0x107, v7;
	v0 =	vsel vm8, $0x180, v0;
	v1 =	vsel vm8, $0x183, v1  }
0x12: {  	v2 =	vsel vm8, $0x181, v2;
	v3 =	vsel vm8, $0x182, v3;
	v4 =	vsel vm8, $0x184, v4  }
0x13: {  	v5 =	vsel vm8, $0x185, v5;
	v6 =	vsel vm8, $0x186, v6;
	v7 =	vsel vm8, $0x187, v7  }
0x14: {  	v0 =	vsel vm9, $0x200, v0;
	v1 =	vsel vm9, $0x203, v1;
	v2 =	vsel vm9, $0x201, v2  }
0x15: {  	v3 =	vsel vm9, $0x202, v3;
	v4 =	vsel vm9, $0x204, v4;
	v5 =	vsel vm9, $0x205, v5  }
0x16: {  	v6 =	vsel vm9, $0x206, v6;
	v7 =	vsel vm9, $0x207, v7;
	v0 =	vsel vm10, $0x280, v0  }
0x17: {  	v1 =	vsel vm10, $0x283, v1;
	v2 =	vsel vm10, $0x281, v2;
	v3 =	vsel vm10, $0x282, v3  }
0x18: {  	v4 =	vsel vm10, $0x284, v4;
	v5 =	vsel vm10, $0x285, v5;
	v6 =	vsel vm10, $0x286, v6  }
0x19: {  	v7 =	vsel vm10, $0x287, v7;
	v0 =	vsel vm11, $0x300, v0;
	v1 =	vsel vm11, $0x303, v1  }
0x1a: {  	v2 =	vsel vm11, $0x301, v2;
	v3 =	vsel vm11, $0x302, v3;
	v4 =	vsel vm11, $0x304, v4  }
0x1b: {  	v5 =	vsel vm11, $0x305, v5;
	v6 =	vsel vm11, $0x306, v6;
	v7 =	vsel vm11, $0x307, v7  }
0x1c: {  	v0 =	vsel vm12, $0x380, v0;
	v1 =	vsel vm12, $0x383, v1;
	v2 =	vsel vm12, $0x381, v2  }
0x1d: {  	v3 =	vsel vm12, $0x382, v3;
	v4 =	vsel vm12, $0x384, v4;
	v5 =	vsel vm12, $0x385, v5  }
0x1e: {  	v6 =	vsel vm12, $0x386, v6;
	v7 =	vsel vm12, $0x387, v7;
	v0 =	vsel vm13, $0x2400, v0  }
0x1f: {  	v1 =	vsel vm13, $0x2403, v1;
	v2 =	vsel vm13, $0x2401, v2;
	v3 =	vsel vm13, $0x2402, v3  }
0x20: {  	v4 =	vsel vm13, $0x2404, v4;
	v5 =	vsel vm13, $0x2405, v5;
	v6 =	vsel vm13, $0x2406, v6  }
0x21: {  	v7 =	vsel vm13, $0x2407, v7;
	v0 =	vsel vm5, $0x2480, v0;
	v1 =	vsel vm5, $0x2483, v1  }
0x22: {  	v2 =	vsel vm5, $0x2481, v2;
	v3 =	vsel vm5, $0x2482, v3;
	v4 =	vsel vm5, $0x2484, v4  }
0x23: {  	v5 =	vsel vm5, $0x2485, v5;
	v6 =	vsel vm5, $0x2486, v6;
	v7 =	vsel vm5, $0x2487, v7  }
0x24: {  	v0 =	vsel vm4, $0x2500, v0;
	v1 =	vsel vm4, $0x2503, v1;
	v2 =	vsel vm4, $0x2501, v2  }
0x25: {  	v3 =	vsel vm4, $0x2502, v3;
	v4 =	vsel vm4, $0x2504, v4;
	v5 =	vsel vm4, $0x2505, v5  }
0x26: {  	v6 =	vsel vm4, $0x2506, v6;
	v7 =	vsel vm4, $0x2507, v7;
	v0 =	vsel vm3, $0x2580, v0  }
0x27: {  	v1 =	vsel vm3, $0x2583, v1;
	v2 =	vsel vm3, $0x2581, v2;
	v3 =	vsel vm3, $0x2582, v3  }
0x28: {  	v4 =	vsel vm3, $0x2584, v4;
	v5 =	vsel vm3, $0x2585, v5;
	v0 =	vsel vm2, $0x2600, v0  }
0x29: {  	v1 =	vsel vm2, $0x2603, v1;
	v2 =	vsel vm2, $0x2601, v2;
	v3 =	vsel vm2, $0x2602, v3  }
0x2a: {  	v4 =	vsel vm2, $0x2604, v4;
	v5 =	vsel vm2, $0x2605, v5;
	v0 =	vsel vm1, $0x2680, v0  }
0x2b: {  	v1 =	vsel vm1, $0x2683, v1;
	v2 =	vsel vm1, $0x2681, v2;
	v3 =	vsel vm1, $0x2682, v3  }
0x2c: {  	s0 =	rddreg [dreg:$0x0];
	v4 =	vsel vm1, $0x2684, v4;
	v8 =	vsel vm1, $0x2685, v5;
	v5 =	vsel vm3, $0x2586, v6  }
0x2d: {  	s2 =	rddreg [dreg:$0x1];
	v6 =	vsel vm3, $0x2587, v7;
	v7 =	vlaneseq.u32;
	v0 =	vsel vm0, $0x2700, v0  }
0x2e: {  	s1 =	srdreg.scid;
	s3 =	stileid.u32;
	s4 =	simm.s32 $0x0;
	v1 =	vsel vm0, $0x2703, v1;
	v2 =	vsel vm0, $0x2701, v2;
	v3 =	vsel vm0, $0x2702, v3  }
0x2f: {  	s12 =	simm.s32 $0x2400;
	s13 =	simm.s32 $0x1;
	s14 =	simm.s32 $0x9000;
	v4 =	vsel vm0, $0x2704, v4;
	v5 =	vsel vm2, $0x2606, v5;
	v6 =	vsel vm2, $0x2607, v6  }
0x30: {  	s15 =	simm.s32 $0x2;
	s16 =	simm.s32 $0x4800;
	s17 =	simm.s32 $0xD000;
	v9 =	vsel vm1, $0x2686, v5;
	v10 =	vsel vm1, $0x2687, v6;
	v5 =	vmul.u32 $0x80, v7  }
0x31: {  	s18 =	simm.s32 $0x3;
	s20 =	simm.s32 $0x4;
	s21 =	simm.s32 $0x13D6400;
	v6 =	vsel vm0, $0x2705, v8;
	v7 =	vsel vm0, $0x2706, v9;
	v8 =	vsel vm0, $0x2707, v10  }
0x32: {  	s22 =	simm.s32 $0x11400;
	s23 =	simm.s32 $0x5;
	s24 =	simm.s32 $0x11000;
	v9 =	vor.u32 $0x1, v5;
	v10 =	vor.u32 $0x2, v5;
	v11 =	vor.u32 $0x3, v5  }
0x33: {  	s25 =	simm.s32 $0x0;
	s1 =	sand.u32 $0x1, s1;
	s5 =	sshll.u32 s3, $0x1;
	v12 =	vor.u32 $0x4, v5;
	v13 =	vor.u32 $0x5, v5;
	v14 =	vor.u32 $0x6, v5  }
.Ltmp0:
0x34: {  	[smem:$0x7FF] =	sst s4;
	s8 =	sadd.s32 $0x27AC00, s0;
	v15 =	vor.u32 $0x7, v5;
	v16 =	vor.u32 $0x8, v5;
	v17 =	vor.u32 $0x9, v5;
	(pc) =	sbr.rel .LBB2_1-.Ltmp0, $4  }
0x35: {  	s9 =	sadd.s32 $0x4F5800, s2;
	s6 =	ssub.s32 $0x2, s1;
	s5 =	sor.u32 s1, s5;
	v18 =	vor.u32 $0xA, v5;
	v19 =	vor.u32 $0xB, v5;
	v20 =	vor.u32 $0xC, v5  }
0x36: {  	_ =	strace $0x80000047;
	s7 =	sshrl.u32 s6, $0x1;
	s31 =	sshll.u32 s5, $0xA;
	v21 =	vor.u32 $0xD, v5;
	v22 =	vor.u32 $0xE, v5;
	v23 =	vor.u32 $0xF, v5  }
0x37: {  	p0 =	sne.s32 s5, $0x0;
	s30 =	ssub.s32 s6, s7;
	s6 =	sadd.s32 s0, s31;
	v24 =	vor.u32 $0x10, v5;
	v25 =	vor.u32 $0x11, v5;
	v26 =	vor.u32 $0x12, v5  }
0x38: {  	s7 =	sadd.s32 $0x8000, s0;
	s10 =	smax.u32 s30, $0x1;
	s11 =	sadd.s32 $0x27AC80, s6;
	v27 =	vor.u32 $0x13, v5;
	v28 =	vor.u32 $0x14, v5;
	v29 =	vor.u32 $0x15, v5  }
.LBB2_11:
0x39: {  	_ =	swait.ge [sflag:s18], $0x4000  }
.Ltmp1:
0x3a: {  	[sflag:s18] =	ssyncset.done $0x0;
	(pc) =	sbr.rel @!p0 .LBB2_12-.Ltmp1, $4  }
0x3b: {  	[sflag:s18] =	ssyncadd.s32 $0xFFFFC000  }
0x3c: {  	_ =	swait.ge [sflag:s20], $0x4000  }
0x3d: {  	[sflag:s20] =	ssyncset.done $0x0  }
0x3e: {  	[sflag:s20] =	ssyncadd.s32 $0xFFFFC000  }
.LBB2_13:
0x3f: {  	s25 =	sadd.s32 $0x1, s25  }
0x40: {  	p1 =	sne.s32 s25, s10  }
.Ltmp2:
0x41: {  	_ = 	snop;
	(pc) =	sbr.rel @!p1 .LBB2_14-.Ltmp2, $1  }
0x42: {  	_ =	sdelay $0x3  }
.LBB2_1:
.Ltmp3:
0x43: {  	(pc) =	sbr.rel .LBB2_2-.Ltmp3, $4  }
0x44: {  	_ = 	snop  }
0x45: {  	[tilespmem:s4], [sflag:$0x1] =	stream.linear.gather [hbm4b:s6+s4], $0x2000, $0x38;
	[tilespmem:$0x11C00] =	vst v63  }
0x46: {  	s26 =	simm.s32 $0x0  }
0x47: {  	[tilespmem:s12], [sflag:$0x1] =	stream.linear.gather [hbm4b:s11+s4], $0x2000, $0x38;
	[tilespmem:$0x11C00] =	vst v63  }
.LBB2_10:
0x48: {  	s26 =	sadd.s32 $0x1, s26  }
0x49: {  	p1 =	sne.s32 s26, $0x50  }
.Ltmp4:
0x4a: {  	_ = 	snop;
	(pc) =	sbr.rel @!p1 .LBB2_11-.Ltmp4, $1  }
0x4b: {  	_ =	sdelay $0x3  }
.LBB2_2:
0x4c: {  	s1 =	sshll.u32 s26, $0x5;
	s29 =	sand.u32 $0x1, s26  }
0x4d: {  	s28 =	sor.u32 s5, s1;
	p1 =	seq.s32 s29, $0x1  }
0x4e: {  	p2 =	sgt.u32 @!p1 s28, $0x9EA  }
0x4f: {  	p2 =	por p1, p2  }
.Ltmp5:
0x50: {  	_ = 	snop;
	(pc) =	sbr.rel @p2 .LBB2_6-.Ltmp5, $1  }
0x51: {  	_ =	sdelay $0x3  }
0x52: {  	s1 =	sor.u32 $0x20, s28  }
0x53: {  	p2 =	sgt.u32 s1, $0x9EA  }
0x54: {  	s31 =	simm.s32 $0x0;
	s1 =	sshll.u32 @!p2 s1, $0xA  }
0x55: {  	s29 =	simm.s32 @!p2 $0x0;
	s30 =	simm.s32 @!p2 $0x4800;
	s1 =	sadd.s32 @!p2 s0, s1  }
0x56: {  	v30 =	vmov s31;
	[tilespmem:s30], [sflag:$0x2] =	stream.linear.gather @!p2 [hbm4b:s1+s29], $0x2000, $0x38;
	[tilespmem:$0x11C00] =	vst v63  }
0x57: {  	v31 =	vshll.u32 v30, $0x3;
	s1 =	sadd.s32 @!p2 $0x27AC80, s1;
	s30 =	simm.s32 @!p2 $0x6C00  }
0x58: {  	v30 =	vand.u32 $0x40, v30;
	v31 =	vand.u32 $0x1C00, v31;
	[tilespmem:s30], [sflag:$0x2] =	stream.linear.gather @!p2 [hbm4b:s1+s29], $0x2000, $0x38;
	[tilespmem:$0x11C00] =	vst v63  }
0x59: {  	s19 =	simm.s32 $0x38;
	v30 =	vor.u32 v30, v31;
	_ =	swait.ge [sflag:s13], $0x4000  }
0x5a: {  	v32 =	vmov s19;
	v31 =	vadd.s32 v0, v30;
	p2 =	slt.u32 s26, $0x2;
	[sflag:s13] =	ssyncset.done $0x0  }
0x5b: {  	v34 =	vshll.u32 v32, $0x3;
	v33 =	vor.u32 $0x1, v31;
	s29 =	simm.s32 @!p2 $0x3;
	[sflag:s13] =	ssyncadd.s32 $0xFFFFC000  }
0x5c: {  	v32 =	vand.u32 $0x78, v32;
	v34 =	vand.u32 $0x1C00, v34;
	v30 =	vadd.s32 v1, v30;
	_ =	swait.ge @!p2 [sflag:s29], $0x4000  }
0x5d: {  	v38 =	vor.u32 v32, v34;
	v35 =	vor.u32 $0x2, v31;
	[sflag:s29] =	ssyncset.done @!p2 $0x0  }
0x5e: {  	v41 =	vadd.s32 v8, v38;
	[sflag:s29] =	ssyncadd.s32 @!p2 $0xFFFFC000  }
0x5f: {  	s3 =	simm.s32 $0x8;
	s19 =	simm.s32 $0x10;
	v42 =	vor.u32 $0x4, v31;
	v39 =	vld.idx.msk [tilespmem:v31+s4+$0x0], $0xffff  }
0x60: {  	v50 =	vmov s3;
	v55 =	vmov s19;
	v52 =	vor.u32 $0x6, v31;
	v40 =	vld.idx.msk [tilespmem:v33+s4+$0x0], $0xffff  }
0x61: {  	v51 =	vshll.u32 v50, $0x3;
	v46 =	vshll.u32 v55, $0x3;
	v36 =	vor.u32 $0x5, v31;
	v43 =	vld.idx.msk [tilespmem:v30+s4+$0x0], $0xffff  }
0x62: {  	v57 =	vand.u32 $0x50, v55;
	v58 =	vand.u32 $0x1C00, v46;
	v53 =	vor.u32 $0x7, v31;
	v44 =	vld.idx.msk [tilespmem:v35+s4+$0x0], $0xffff  }
0x63: {  	v32 =	vadd.s32 v6, v38;
	v30 =	vand.u32 $0x48, v50;
	v31 =	vld.idx.msk [tilespmem:v41+s4+$0x0], $0xffff;
	v50 =	vor.u32 v57, v58  }
0x64: {  	v33 =	vand.u32 $0x1C00, v51;
	v41 =	vld.idx.msk [tilespmem:v42+s4+$0x0], $0xffff;
	v51 =	vadd.s32 v0, v50  }
0x65: {  	v48 =	vld.idx.msk [tilespmem:v52+s4+$0x0], $0xffff;
	v52 =	vadd.s32 v2, v50  }
0x66: {  	v45 =	vld.idx.msk [tilespmem:v36+s4+$0x0], $0xffff;
	v60 =	vadd.s32 v3, v50  }
0x67: {  	v59 =	vld.idx.msk [tilespmem:v53+s4+$0x0], $0xffff;
	v61 =	vadd.s32 v1, v50  }
0x68: {  	s29 =	simm.s32 $0x9200;
	v37 =	vor.u32 v30, v33;
	v33 =	vld.idx.msk [tilespmem:v32+s4+$0x0], $0xffff;
	v62 =	vadd.s32 v4, v50  }
0x69: {  	v54 =	vadd.s32 v4, v37;
	[tilespmem:s29+$0xFFFFFE00] =	vst v39;
	v39 =	vld.idx.msk [tilespmem:v51+s4+$0x0], $0xffff  }
0x6a: {  	v56 =	vadd.s32 v6, v37;
	[tilespmem:s29+$0xFFFFFE40] =	vst v41;
	v41 =	vld.idx.msk [tilespmem:v52+s4+$0x0], $0xffff  }
0x6b: {  	v49 =	vadd.s32 v8, v37;
	v42 =	vld.idx.msk [tilespmem:v60+s4+$0x0], $0xffff  }
0x6c: {  	s3 =	simm.s32 $0x18;
	v63 =	vadd.s32 v6, v50;
	v46 =	vld.idx.msk [tilespmem:v61+s4+$0x0], $0xffff  }
0x6d: {  	v53 =	vmov s3;
	v57 =	vadd.s32 v8, v50;
	[tilespmem:s29+$0xFFFFFE10] =	vst v40;
	v40 =	vld.idx.msk [tilespmem:v62+s4+$0x0], $0xffff  }
0x6e: {  	v47 =	vadd.s32 v1, v37;
	v32 =	vld.idx.msk [tilespmem:v54+s4+$0x0], $0xffff;
	v54 =	vshll.u32 v53, $0x3  }
0x6f: {  	v35 =	vld.idx.msk [tilespmem:v56+s4+$0x0], $0xffff;
	v56 =	vadd.s32 v7, v50;
	v53 =	vand.u32 $0x58, v53;
	v54 =	vand.u32 $0x1C00, v54  }
0x70: {  	[tilespmem:s29+$0xFFFFFE70] =	vst v59;
	v36 =	vld.idx.msk [tilespmem:v49+s4+$0x0], $0xffff;
	v49 =	vadd.s32 v7, v38;
	v50 =	vor.u32 v53, v54  }
0x71: {  	[tilespmem:s29+$0xFFFFFE20] =	vst v44;
	v44 =	vld.idx.msk [tilespmem:v63+s4+$0x0], $0xffff;
	v58 =	vadd.s32 v0, v50  }
0x72: {  	[tilespmem:s29+$0xFFFFFE50] =	vst v45;
	v45 =	vld.idx.msk [tilespmem:v57+s4+$0x0], $0xffff;
	v59 =	vadd.s32 v2, v50  }
0x73: {  	v34 =	vld.idx.msk [tilespmem:v47+s4+$0x0], $0xffff;
	v60 =	vadd.s32 v3, v50  }
0x74: {  	s19 =	simm.s32 $0x20;
	[tilespmem:s29+$0xFFFFFE30] =	vst v43;
	v61 =	vadd.s32 v1, v50;
	v43 =	vld.idx.msk [tilespmem:v56+s4+$0x0], $0xffff  }
0x75: {  	[tilespmem:s29+$0xFFFFFE60] =	vst v48;
	v63 =	vmov s19;
	v62 =	vadd.s32 v4, v50;
	v49 =	vld.idx.msk [tilespmem:v49+s4+$0x0], $0xffff  }
0x76: {  	v57 =	vadd.s32 v6, v50;
	[tilespmem:s29+$0xFFFFFF10] =	vst v41;
	v41 =	vld.idx.msk [tilespmem:v58+s4+$0x0], $0xffff;
	v58 =	vshll.u32 v63, $0x3  }
0x77: {  	v53 =	vand.u32 $0x60, v63;
	[tilespmem:s29+$0xFFFFFF00] =	vst v39;
	v39 =	vld.idx.msk [tilespmem:v59+s4+$0x0], $0xffff;
	v59 =	vadd.s32 v7, v50;
	v54 =	vand.u32 $0x1C00, v58  }
0x78: {  	[tilespmem:s29+$0xFFFFFF40] =	vst v40;
	v60 =	vld.idx.msk [tilespmem:v60+s4+$0x0], $0xffff;
	v50 =	vadd.s32 v8, v50;
	v51 =	vor.u32 v53, v54  }
0x79: {  	[tilespmem:s29+$0xFFFFFF50] =	vst v44;
	v44 =	vld.idx.msk [tilespmem:v61+s4+$0x0], $0xffff;
	v61 =	vadd.s32 v0, v51  }
0x7a: {  	[tilespmem:s29+$0xFFFFFF20] =	vst v42;
	v42 =	vld.idx.msk [tilespmem:v62+s4+$0x0], $0xffff;
	v62 =	vadd.s32 v2, v51  }
0x7b: {  	[tilespmem:s29+$0xFFFFFF30] =	vst v46;
	v46 =	vld.idx.msk [tilespmem:v57+s4+$0x0], $0xffff;
	v63 =	vadd.s32 v3, v51  }
0x7c: {  	s3 =	simm.s32 $0x28;
	[tilespmem:s29+$0xFFFFFF60] =	vst v43;
	v57 =	vadd.s32 v1, v51;
	v43 =	vld.idx.msk [tilespmem:v59+s4+$0x0], $0xffff  }
0x7d: {  	[tilespmem:s29+$0xFFFFFF70] =	vst v45;
	v58 =	vadd.s32 v4, v51;
	v45 =	vld.idx.msk [tilespmem:v50+s4+$0x0], $0xffff;
	v59 =	vmov s3  }
0x7e: {  	[tilespmem:s29+$0xFFFFFFA0] =	vst v60;
	v60 =	vadd.s32 v6, v51;
	v40 =	vld.idx.msk [tilespmem:v61+s4+$0x0], $0xffff;
	v61 =	vshll.u32 v59, $0x3  }
0x7f: {  	[tilespmem:s29+$0xFFFFFF90] =	vst v39;
	v53 =	vand.u32 $0x68, v59;
	v39 =	vld.idx.msk [tilespmem:v62+s4+$0x0], $0xffff;
	v62 =	vadd.s32 v7, v51;
	v54 =	vand.u32 $0x1C00, v61  }
0x80: {  	[tilespmem:s29+$0xFFFFFFC0] =	vst v42;
	v42 =	vld.idx.msk [tilespmem:v63+s4+$0x0], $0xffff;
	v63 =	vadd.s32 v8, v51;
	v51 =	vor.u32 v53, v54  }
0x81: {  	[tilespmem:s29+$0xFFFFFFD0] =	vst v46;
	v46 =	vld.idx.msk [tilespmem:v57+s4+$0x0], $0xffff;
	v56 =	vadd.s32 v0, v51  }
0x82: {  	[tilespmem:s29+$0xFFFFFFE0] =	vst v43;
	v43 =	vld.idx.msk [tilespmem:v58+s4+$0x0], $0xffff;
	v57 =	vadd.s32 v8, v51  }
0x83: {  	[tilespmem:s29+$0xFFFFFFF0] =	vst v45;
	v45 =	vld.idx.msk [tilespmem:v60+s4+$0x0], $0xffff;
	v58 =	vadd.s32 v2, v51  }
0x84: {  	[tilespmem:s29+$0xFFFFFF80] =	vst v41;
	v60 =	vadd.s32 v3, v51;
	v59 =	vld.idx.msk [tilespmem:v62+s4+$0x0], $0xffff  }
0x85: {  	[tilespmem:s29+$0xFFFFFFB0] =	vst v44;
	v61 =	vld.idx.msk [tilespmem:v63+s4+$0x0], $0xffff;
	v62 =	vadd.s32 v1, v51  }
0x86: {  	[tilespmem:s29+$0x0] =	vst v40;
	v63 =	vadd.s32 v6, v51;
	v40 =	vld.idx.msk [tilespmem:v56+s4+$0x0], $0xffff  }
0x87: {  	[tilespmem:s29+$0x30] =	vst v46;
	v46 =	vadd.s32 v4, v38;
	v50 =	vld.idx.msk [tilespmem:v57+s4+$0x0], $0xffff  }
0x88: {  	[tilespmem:s29+$0x10] =	vst v39;
	v56 =	vadd.s32 v7, v51;
	v57 =	vld.idx.msk [tilespmem:v58+s4+$0x0], $0xffff  }
0x89: {  	[tilespmem:s29+$0x40] =	vst v43;
	v51 =	vadd.s32 v4, v51;
	v43 =	vld.idx.msk [tilespmem:v60+s4+$0x0], $0xffff  }
0x8a: {  	[tilespmem:s29+$0x20] =	vst v42;
	v58 =	vadd.s32 v2, v38;
	v41 =	vld.idx.msk [tilespmem:v62+s4+$0x0], $0xffff  }
0x8b: {  	s19 =	simm.s32 $0x30;
	[tilespmem:s29+$0x60] =	vst v59;
	v59 =	vadd.s32 v0, v38;
	v44 =	vld.idx.msk [tilespmem:v63+s4+$0x0], $0xffff  }
0x8c: {  	v30 =	vadd.s32 v3, v37;
	[tilespmem:s29+$0x50] =	vst v45;
	v60 =	vmov s19;
	v55 =	vld.idx.msk [tilespmem:v46+s4+$0x0], $0xffff  }
0x8d: {  	[tilespmem:s29+$0x70] =	vst v61;
	v61 =	vadd.s32 v1, v38;
	v62 =	vshll.u32 v60, $0x3;
	v45 =	vld.idx.msk [tilespmem:v56+s4+$0x0], $0xffff  }
0x8e: {  	v63 =	vand.u32 $0x70, v60;
	v38 =	vadd.s32 v3, v38;
	v48 =	vld.idx.msk [tilespmem:v51+s4+$0x0], $0xffff;
	v56 =	vand.u32 $0x1C00, v62;
	[tilespmem:s29+$0x90] =	vst v57  }
0x8f: {  	v57 =	vld.idx.msk [tilespmem:v58+s4+$0x0], $0xffff;
	v58 =	vadd.s32 v7, v37;
	[tilespmem:s29+$0xF0] =	vst v50;
	v51 =	vor.u32 v63, v56  }
0x90: {  	[tilespmem:s29+$0xA0] =	vst v43;
	v47 =	vld.idx.msk [tilespmem:v59+s4+$0x0], $0xffff;
	v59 =	vadd.s32 v0, v51  }
0x91: {  	v30 =	vld.idx.msk [tilespmem:v30+s4+$0x0], $0xffff;
	[tilespmem:s29+$0x80] =	vst v40;
	v60 =	vadd.s32 v2, v51  }
0x92: {  	[tilespmem:s29+$0xB0] =	vst v41;
	v61 =	vld.idx.msk [tilespmem:v61+s4+$0x0], $0xffff;
	v62 =	vadd.s32 v3, v51  }
0x93: {  	[tilespmem:s29+$0xD0] =	vst v44;
	v63 =	vadd.s32 v1, v51;
	v44 =	vld.idx.msk [tilespmem:v38+s4+$0x0], $0xffff  }
0x94: {  	v39 =	vadd.s32 v2, v37;
	[tilespmem:s29+$0x1E0] =	vst v49;
	v43 =	vld.idx.msk [tilespmem:v58+s4+$0x0], $0xffff  }
0x95: {  	v38 =	vadd.s32 v0, v37;
	[tilespmem:s29+$0x1C0] =	vst v55;
	v42 =	vld.idx.msk [tilespmem:v59+s4+$0x0], $0xffff  }
0x96: {  	v41 =	vadd.s32 v4, v51;
	[tilespmem:s29+$0x190] =	vst v57;
	v46 =	vld.idx.msk [tilespmem:v60+s4+$0x0], $0xffff  }
0x97: {  	v50 =	vadd.s32 v6, v51;
	[tilespmem:s29+$0x180] =	vst v47;
	v49 =	vld.idx.msk [tilespmem:v62+s4+$0x0], $0xffff  }
0x98: {  	s31 =	simm.s32 $0x40;
	s30 =	simm.s32 $0x0;
	s1 =	simm.s32 $0x9600;
	v37 =	vadd.s32 v8, v51;
	v40 =	vadd.s32 v7, v51;
	[tilespmem:s29+$0x1B0] =	vst v61;
	v47 =	vld.idx.msk [tilespmem:v63+s4+$0x0], $0xffff  }
.LBB2_4:
0x99: {  	v51 =	vmov s31;
	s3 =	sadd.s32 $0x18, s31;
	s19 =	sadd.s32 $0x30, s31;
	s30 =	sadd.s32 $0x8, s30;
	v52 =	vld.idx.msk [tilespmem:v39+s4+$0x0], $0xffff;
	[tilespmem:s29+$0x1D0] =	vst v33  }
0x9a: {  	v33 =	vand.u32 $0x40, v51;
	v39 =	vshll.u32 v51, $0x3;
	v51 =	vmov s3;
	s3 =	sadd.s32 $0x38, s31;
	p2 =	slt.u32 s30, $0x78;
	v53 =	vld.idx.msk [tilespmem:v38+s4+$0x0], $0xffff;
	[tilespmem:s29+$0xC0] =	vst v48  }
0x9b: {  	v48 =	vmov s19;
	v38 =	vand.u32 $0x1C00, v39;
	v39 =	vshll.u32 v51, $0x3;
	[tilespmem:s29+$0xFFFFFEF0] =	vst v36;
	v36 =	vld.idx.msk [tilespmem:v41+s4+$0x0], $0xffff  }
0x9c: {  	v33 =	vor.u32 v33, v38;
	v54 =	vand.u32 $0x1C00, v39;
	v38 =	vmov s3;
	v39 =	vld.idx.msk [tilespmem:v50+s4+$0x0], $0xffff;
	[tilespmem:s29+$0x1F0] =	vst v31  }
0x9d: {  	v31 =	vadd.s32 v0, v33;
	v33 =	vadd.s32 v1, v33;
	v41 =	vand.u32 $0x78, v38;
	[tilespmem:s29+$0xFFFFFED0] =	vst v35;
	v35 =	vld.idx.msk [tilespmem:v40+s4+$0x0], $0xffff  }
0x9e: {  	v50 =	vand.u32 $0x70, v48;
	v48 =	vshll.u32 v48, $0x3;
	v40 =	vor.u32 $0x1, v31;
	[tilespmem:s29+$0xFFFFFEB0] =	vst v34;
	v34 =	vld.idx.msk [tilespmem:v37+s4+$0x0], $0xffff  }
0x9f: {  	s3 =	sadd.s32 $0x8, s31;
	v38 =	vshll.u32 v38, $0x3;
	v37 =	vor.u32 $0x2, v31;
	v55 =	vor.u32 $0x5, v31;
	[tilespmem:s29+$0xE0] =	vst v45  }
0xa0: {  	v56 =	vmov s3;
	v38 =	vand.u32 $0x1C00, v38;
	v45 =	vor.u32 $0x4, v31;
	[tilespmem:s29+$0xFFFFFEC0] =	vst v32  }
0xa1: {  	v41 =	vor.u32 v41, v38;
	v32 =	vand.u32 $0x48, v56;
	v56 =	vshll.u32 v56, $0x3;
	[tilespmem:s29+$0x120] =	vst v49  }
0xa2: {  	v57 =	vor.u32 $0x6, v31;
	v38 =	vand.u32 $0x1C00, v56;
	v56 =	vadd.s32 v6, v41;
	v49 =	vld.idx.msk [tilespmem:v31+s4+$0x0], $0xffff;
	[tilespmem:s29+$0x150] =	vst v39  }
0xa3: {  	v59 =	vor.u32 $0x7, v31;
	v32 =	vor.u32 v32, v38;
	v31 =	vadd.s32 v8, v41;
	v58 =	vld.idx.msk [tilespmem:v40+s4+$0x0], $0xffff;
	[tilespmem:s29+$0x140] =	vst v36  }
0xa4: {  	v38 =	vadd.s32 v0, v32;
	v60 =	vld.idx.msk [tilespmem:v33+s4+$0x0], $0xffff;
	v33 =	vand.u32 $0x1C00, v48;
	[tilespmem:s29+$0x170] =	vst v34  }
0xa5: {  	v39 =	vadd.s32 v2, v32;
	v48 =	vld.idx.msk [tilespmem:v37+s4+$0x0], $0xffff;
	v40 =	vor.u32 v50, v33;
	[tilespmem:s29+$0xFFFFFEA0] =	vst v30  }
0xa6: {  	v30 =	vadd.s32 v3, v32;
	v50 =	vld.idx.msk [tilespmem:v55+s4+$0x0], $0xffff;
	v37 =	vadd.s32 v8, v40;
	[tilespmem:s29+$0x130] =	vst v47  }
0xa7: {  	s3 =	sadd.s32 $0x10, s31;
	v34 =	vadd.s32 v1, v32;
	v33 =	vld.idx.msk [tilespmem:v56+s4+$0x0], $0xffff;
	[tilespmem:s29+$0xFFFFFE90] =	vst v52  }
0xa8: {  	v36 =	vadd.s32 v4, v32;
	v47 =	vmov s3;
	v31 =	vld.idx.msk [tilespmem:v31+s4+$0x0], $0xffff;
	[tilespmem:s29+$0x100] =	vst v42  }
0xa9: {  	v52 =	vadd.s32 v6, v32;
	v55 =	vshll.u32 v47, $0x3;
	v45 =	vld.idx.msk [tilespmem:v45+s4+$0x0], $0xffff;
	[tilespmem:s29+$0x110] =	vst v46  }
0xaa: {  	v47 =	vand.u32 $0x50, v47;
	v42 =	vadd.s32 v7, v32;
	v55 =	vand.u32 $0x1C00, v55;
	v46 =	vld.idx.msk [tilespmem:v57+s4+$0x0], $0xffff;
	[tilespmem:s29+$0x1A0] =	vst v44  }
0xab: {  	v56 =	vadd.s32 v8, v32;
	v47 =	vor.u32 v47, v55;
	v44 =	vld.idx.msk [tilespmem:v59+s4+$0x0], $0xffff;
	[tilespmem:s29+$0x160] =	vst v35  }
0xac: {  	v55 =	vadd.s32 v0, v47;
	v30 =	vld.idx.msk [tilespmem:v30+s4+$0x0], $0xffff;
	[tilespmem:s29+$0xFFFFFE80] =	vst v53  }
0xad: {  	v53 =	vadd.s32 v2, v47;
	v32 =	vld.idx.msk [tilespmem:v36+s4+$0x0], $0xffff;
	[tilespmem:s29+$0xFFFFFEE0] =	vst v43;
	s29 =	smov.u32 s1  }
0xae: {  	v43 =	vadd.s32 v3, v47;
	[tilespmem:s1+$0xFFFFFE00] =	vst v49;
	v35 =	vld.idx.msk [tilespmem:v52+s4+$0x0], $0xffff  }
0xaf: {  	[tilespmem:s1+$0xFFFFFE40] =	vst v45;
	v34 =	vld.idx.msk [tilespmem:v34+s4+$0x0], $0xffff;
	v45 =	vadd.s32 v1, v47  }
0xb0: {  	[tilespmem:s1+$0xFFFFFE60] =	vst v46;
	v36 =	vld.idx.msk [tilespmem:v56+s4+$0x0], $0xffff;
	v46 =	vadd.s32 v4, v47  }
0xb1: {  	v49 =	vadd.s32 v6, v47;
	[tilespmem:s1+$0xFFFFFE70] =	vst v44;
	v44 =	vld.idx.msk [tilespmem:v55+s4+$0x0], $0xffff  }
0xb2: {  	v51 =	vand.u32 $0x58, v51;
	[tilespmem:s1+$0xFFFFFE10] =	vst v58;
	v52 =	vld.idx.msk [tilespmem:v53+s4+$0x0], $0xffff;
	v53 =	vadd.s32 v7, v47  }
0xb3: {  	v47 =	vadd.s32 v8, v47;
	[tilespmem:s1+$0xFFFFFE20] =	vst v48;
	v43 =	vld.idx.msk [tilespmem:v43+s4+$0x0], $0xffff;
	v48 =	vor.u32 v51, v54  }
0xb4: {  	[tilespmem:s1+$0xFFFFFE30] =	vst v60;
	v45 =	vld.idx.msk [tilespmem:v45+s4+$0x0], $0xffff;
	v51 =	vadd.s32 v0, v48  }
0xb5: {  	[tilespmem:s1+$0xFFFFFE50] =	vst v50;
	v46 =	vld.idx.msk [tilespmem:v46+s4+$0x0], $0xffff;
	v50 =	vadd.s32 v2, v48  }
0xb6: {  	v54 =	vadd.s32 v3, v48;
	v49 =	vld.idx.msk [tilespmem:v49+s4+$0x0], $0xffff  }
0xb7: {  	s3 =	sadd.s32 $0x20, s31;
	v55 =	vadd.s32 v1, v48;
	v53 =	vld.idx.msk [tilespmem:v53+s4+$0x0], $0xffff  }
0xb8: {  	v57 =	vmov s3;
	v56 =	vadd.s32 v4, v48;
	v47 =	vld.idx.msk [tilespmem:v47+s4+$0x0], $0xffff  }
0xb9: {  	v58 =	vshll.u32 v57, $0x3;
	[tilespmem:s1+$0xFFFFFF10] =	vst v52;
	v51 =	vld.idx.msk [tilespmem:v51+s4+$0x0], $0xffff;
	v52 =	vadd.s32 v6, v48  }
0xba: {  	v57 =	vand.u32 $0x60, v57;
	v58 =	vand.u32 $0x1C00, v58;
	[tilespmem:s1+$0xFFFFFF00] =	vst v44;
	v44 =	vld.idx.msk [tilespmem:v50+s4+$0x0], $0xffff;
	v50 =	vadd.s32 v7, v48  }
0xbb: {  	v48 =	vadd.s32 v8, v48;
	[tilespmem:s1+$0xFFFFFF40] =	vst v46;
	v46 =	vld.idx.msk [tilespmem:v54+s4+$0x0], $0xffff;
	v54 =	vor.u32 v57, v58  }
0xbc: {  	[tilespmem:s1+$0xFFFFFF50] =	vst v49;
	v49 =	vld.idx.msk [tilespmem:v55+s4+$0x0], $0xffff;
	v55 =	vadd.s32 v0, v54  }
0xbd: {  	[tilespmem:s1+$0xFFFFFF20] =	vst v43;
	v43 =	vld.idx.msk [tilespmem:v56+s4+$0x0], $0xffff;
	v56 =	vadd.s32 v2, v54  }
0xbe: {  	[tilespmem:s1+$0xFFFFFF30] =	vst v45;
	v45 =	vld.idx.msk [tilespmem:v52+s4+$0x0], $0xffff;
	v52 =	vadd.s32 v3, v54  }
0xbf: {  	s3 =	sadd.s32 $0x28, s31;
	[tilespmem:s1+$0xFFFFFF60] =	vst v53;
	v50 =	vld.idx.msk [tilespmem:v50+s4+$0x0], $0xffff;
	v53 =	vadd.s32 v1, v54  }
0xc0: {  	v57 =	vmov s3;
	[tilespmem:s1+$0xFFFFFF70] =	vst v47;
	v47 =	vld.idx.msk [tilespmem:v48+s4+$0x0], $0xffff;
	v48 =	vadd.s32 v4, v54  }
0xc1: {  	v58 =	vshll.u32 v57, $0x3;
	[tilespmem:s1+$0xFFFFFFA0] =	vst v46;
	v46 =	vld.idx.msk [tilespmem:v55+s4+$0x0], $0xffff;
	v55 =	vadd.s32 v6, v54  }
0xc2: {  	v57 =	vand.u32 $0x68, v57;
	v58 =	vand.u32 $0x1C00, v58;
	[tilespmem:s1+$0xFFFFFF90] =	vst v44;
	v44 =	vld.idx.msk [tilespmem:v56+s4+$0x0], $0xffff;
	v56 =	vadd.s32 v7, v54  }
0xc3: {  	[tilespmem:s1+$0xFFFFFFC0] =	vst v43;
	v43 =	vld.idx.msk [tilespmem:v52+s4+$0x0], $0xffff;
	v52 =	vadd.s32 v8, v54;
	v54 =	vor.u32 v57, v58  }
0xc4: {  	[tilespmem:s1+$0xFFFFFFD0] =	vst v45;
	v53 =	vld.idx.msk [tilespmem:v53+s4+$0x0], $0xffff;
	v45 =	vadd.s32 v0, v54  }
0xc5: {  	[tilespmem:s1+$0xFFFFFFE0] =	vst v50;
	v48 =	vld.idx.msk [tilespmem:v48+s4+$0x0], $0xffff;
	v50 =	vadd.s32 v8, v54  }
0xc6: {  	[tilespmem:s1+$0xFFFFFFF0] =	vst v47;
	v47 =	vld.idx.msk [tilespmem:v55+s4+$0x0], $0xffff;
	v55 =	vadd.s32 v2, v54  }
0xc7: {  	[tilespmem:s1+$0xFFFFFF80] =	vst v51;
	v51 =	vld.idx.msk [tilespmem:v56+s4+$0x0], $0xffff;
	v56 =	vadd.s32 v3, v54  }
0xc8: {  	[tilespmem:s1+$0xFFFFFFB0] =	vst v49;
	v49 =	vld.idx.msk [tilespmem:v52+s4+$0x0], $0xffff;
	v52 =	vadd.s32 v1, v54  }
0xc9: {  	[tilespmem:s1+$0x0] =	vst v46;
	v46 =	vld.idx.msk [tilespmem:v45+s4+$0x0], $0xffff;
	v45 =	vadd.s32 v6, v54  }
0xca: {  	[tilespmem:s1+$0x10] =	vst v44;
	v44 =	vadd.s32 v7, v54;
	v50 =	vld.idx.msk [tilespmem:v50+s4+$0x0], $0xffff  }
0xcb: {  	v54 =	vadd.s32 v4, v54;
	[tilespmem:s1+$0x20] =	vst v43;
	v43 =	vld.idx.msk [tilespmem:v55+s4+$0x0], $0xffff  }
0xcc: {  	[tilespmem:s1+$0x40] =	vst v48;
	v55 =	vld.idx.msk [tilespmem:v56+s4+$0x0], $0xffff;
	v56 =	vadd.s32 v2, v41  }
0xcd: {  	[tilespmem:s1+$0x60] =	vst v51;
	v51 =	vld.idx.msk [tilespmem:v52+s4+$0x0], $0xffff;
	v52 =	vadd.s32 v0, v41  }
0xce: {  	v57 =	vadd.s32 v7, v41;
	[tilespmem:s1+$0x70] =	vst v49;
	v49 =	vld.idx.msk [tilespmem:v45+s4+$0x0], $0xffff  }
0xcf: {  	[tilespmem:s1+$0x50] =	vst v47;
	v45 =	vld.idx.msk [tilespmem:v44+s4+$0x0], $0xffff;
	v44 =	vadd.s32 v1, v41  }
0xd0: {  	v47 =	vadd.s32 v4, v41;
	[tilespmem:s1+$0x30] =	vst v53;
	v48 =	vld.idx.msk [tilespmem:v54+s4+$0x0], $0xffff  }
0xd1: {  	v41 =	vadd.s32 v3, v41;
	[tilespmem:s1+$0x90] =	vst v43;
	v53 =	vld.idx.msk [tilespmem:v56+s4+$0x0], $0xffff  }
0xd2: {  	[tilespmem:s1+$0xF0] =	vst v50;
	v50 =	vld.idx.msk [tilespmem:v52+s4+$0x0], $0xffff  }
0xd3: {  	v52 =	vadd.s32 v0, v40;
	[tilespmem:s1+$0xA0] =	vst v55;
	v54 =	vld.idx.msk [tilespmem:v57+s4+$0x0], $0xffff  }
0xd4: {  	[tilespmem:s1+$0xB0] =	vst v51;
	v51 =	vadd.s32 v2, v40;
	v55 =	vld.idx.msk [tilespmem:v44+s4+$0x0], $0xffff  }
0xd5: {  	[tilespmem:s1+$0xD0] =	vst v49;
	v49 =	vadd.s32 v3, v40;
	v56 =	vld.idx.msk [tilespmem:v47+s4+$0x0], $0xffff  }
0xd6: {  	v47 =	vadd.s32 v1, v40;
	[tilespmem:s1+$0x80] =	vst v46;
	v44 =	vld.idx.msk [tilespmem:v41+s4+$0x0], $0xffff  }
.Ltmp6:
0xd7: {  	v43 =	vld.idx.msk [tilespmem:v42+s4+$0x0], $0xffff;
	[tilespmem:s1+$0x190] =	vst v53;
	(pc) =	sbr.rel @p2 .LBB2_4-.Ltmp6, $4  }
0xd8: {  	v42 =	vld.idx.msk [tilespmem:v52+s4+$0x0], $0xffff;
	[tilespmem:s1+$0x180] =	vst v50  }
0xd9: {  	v41 =	vadd.s32 v4, v40;
	v46 =	vld.idx.msk [tilespmem:v51+s4+$0x0], $0xffff;
	[tilespmem:s1+$0x1E0] =	vst v54  }
0xda: {  	v50 =	vadd.s32 v6, v40;
	v49 =	vld.idx.msk [tilespmem:v49+s4+$0x0], $0xffff;
	[tilespmem:s1+$0x1B0] =	vst v55  }
0xdb: {  	s31 =	sadd.s32 $0x40, s31;
	v40 =	vadd.s32 v7, v40;
	s1 =	sadd.s32 $0x400, s1;
	v47 =	vld.idx.msk [tilespmem:v47+s4+$0x0], $0xffff;
	[tilespmem:s29+$0x1C0] =	vst v56  }
0xdc: {  	_ =	sdelay $0x2  }
0xdd: {  	[tilespmem:s29+$0x1D0] =	vst v33  }
0xde: {  	v39 =	vld.idx.msk [tilespmem:v39+s4+$0x0], $0xffff;
	[tilespmem:s29+$0xC0] =	vst v48  }
0xdf: {  	v60 =	vld.idx.msk [tilespmem:v38+s4+$0x0], $0xffff;
	[tilespmem:s29+$0xFFFFFEF0] =	vst v36  }
0xe0: {  	[tilespmem:s29+$0x1F0] =	vst v31  }
0xe1: {  	[tilespmem:s29+$0xFFFFFED0] =	vst v35  }
0xe2: {  	[tilespmem:s29+$0xFFFFFEB0] =	vst v34  }
0xe3: {  	[tilespmem:s29+$0xE0] =	vst v45  }
0xe4: {  	[tilespmem:s29+$0xFFFFFEC0] =	vst v32  }
0xe5: {  	v31 =	vld.idx.msk [tilespmem:v50+s4+$0x0], $0xffff;
	[tilespmem:s29+$0xFFFFFEA0] =	vst v30  }
0xe6: {  	v61 =	vld.idx.msk [tilespmem:v41+s4+$0x0], $0xffff;
	[tilespmem:s29+$0x1A0] =	vst v44  }
0xe7: {  	v62 =	vld.idx.msk [tilespmem:v37+s4+$0x0], $0xffff;
	[tilespmem:s29+$0xFFFFFEE0] =	vst v43  }
0xe8: {  	v63 =	vld.idx.msk [tilespmem:v40+s4+$0x0], $0xffff;
	[tilespmem:s29+$0x100] =	vst v42  }
0xe9: {  	[tilespmem:s29+$0x110] =	vst v46  }
0xea: {  	[tilespmem:s29+$0x120] =	vst v49  }
0xeb: {  	[tilespmem:s29+$0x130] =	vst v47  }
0xec: {  	[tilespmem:s29+$0x150] =	vst v31  }
0xed: {  	[tilespmem:s29+$0x140] =	vst v61  }
0xee: {  	[tilespmem:s29+$0x170] =	vst v62  }
0xef: {  	[tilespmem:s29+$0xFFFFFE90] =	vst v39  }
0xf0: {  	s1 =	sshll.u32 s28, $0xB;
	[tilespmem:s29+$0x160] =	vst v63  }
0xf1: {  	s1 =	sadd.s32 s2, s1;
	[tilespmem:s29+$0xFFFFFE80] =	vst v60  }
0xf2: {  	[hbm4b:s1+s4] =	stream.linear.scatter [tilespmem:s14], [sflag:$0x3], $0x4000, $0x38;
	[tilespmem:$0x11C00] =	vst v63  }
.LBB2_6:
0xf3: {  	p2 =	sgt.u32 s28, $0x9EA  }
0xf4: {  	p1 =	por p2, !p1  }
.Ltmp7:
0xf5: {  	_ = 	snop;
	(pc) =	sbr.rel @p1 .LBB2_10-.Ltmp7, $1  }
0xf6: {  	_ =	sdelay $0x3  }
0xf7: {  	p1 =	sgt.u32 s28, $0x9CA  }
0xf8: {  	s1 =	sshll.u32 @!p1 s28, $0xA  }
0xf9: {  	s19 =	simm.s32 $0x0;
	s3 =	simm.s32 @!p1 $0x0;
	s1 =	sadd.s32 @!p1 s1, s7  }
0xfa: {  	v30 =	vmov s19;
	[tilespmem:s3], [sflag:$0x1] =	stream.linear.gather @!p1 [hbm4b:s1+s3], $0x2000, $0x38;
	[tilespmem:$0x11C00] =	vst v63  }
0xfb: {  	s19 =	simm.s32 @!p1 $0x2400;
	v31 =	vshll.u32 v30, $0x3;
	s1 =	sadd.s32 @!p1 $0x27AC80, s1  }
0xfc: {  	v30 =	vand.u32 $0x40, v30;
	v31 =	vand.u32 $0x1C00, v31;
	[tilespmem:s19], [sflag:$0x1] =	stream.linear.gather @!p1 [hbm4b:s1+s3], $0x2000, $0x38;
	[tilespmem:$0x11C00] =	vst v63  }
0xfd: {  	v30 =	vor.u32 v30, v31;
	_ =	swait.ge [sflag:s15], $0x4000  }
0xfe: {  	p1 =	slt.u32 s26, $0x2;
	v31 =	vadd.s32 v0, v30;
	[sflag:s15] =	ssyncset.done $0x0  }
0xff: {  	s3 =	simm.s32 @!p1 $0x4;
	v33 =	vor.u32 $0x1, v31;
	[sflag:s15] =	ssyncadd.s32 $0xFFFFC000  }
0x100: {  	s19 =	simm.s32 $0x38;
	v30 =	vadd.s32 v1, v30;
	_ =	swait.ge @!p1 [sflag:s3], $0x4000  }
0x101: {  	v32 =	vmov s19;
	v35 =	vor.u32 $0x2, v31;
	[sflag:s3] =	ssyncset.done @!p1 $0x0  }
0x102: {  	v36 =	vor.u32 $0x5, v31;
	v42 =	vor.u32 $0x4, v31;
	v34 =	vshll.u32 v32, $0x3;
	[sflag:s3] =	ssyncadd.s32 @!p1 $0xFFFFC000  }
0x103: {  	v52 =	vor.u32 $0x6, v31;
	s19 =	simm.s32 $0x10;
	v32 =	vand.u32 $0x78, v32;
	v34 =	vand.u32 $0x1C00, v34;
	v39 =	vld.idx.msk [tilespmem:v31+s16+$0x0], $0xffff  }
0x104: {  	v53 =	vor.u32 $0x7, v31;
	v55 =	vmov s19;
	v38 =	vor.u32 v32, v34;
	v40 =	vld.idx.msk [tilespmem:v33+s16+$0x0], $0xffff  }
0x105: {  	v46 =	vshll.u32 v55, $0x3;
	v57 =	vand.u32 $0x50, v55;
	v32 =	vadd.s32 v6, v38;
	s3 =	simm.s32 $0x8;
	v43 =	vld.idx.msk [tilespmem:v30+s16+$0x0], $0xffff  }
0x106: {  	v58 =	vand.u32 $0x1C00, v46;
	v41 =	vadd.s32 v8, v38;
	v50 =	vmov s3;
	v44 =	vld.idx.msk [tilespmem:v35+s16+$0x0], $0xffff  }
0x107: {  	v45 =	vld.idx.msk [tilespmem:v36+s16+$0x0], $0xffff;
	v51 =	vshll.u32 v50, $0x3;
	v30 =	vand.u32 $0x48, v50;
	v50 =	vor.u32 v57, v58  }
0x108: {  	v48 =	vld.idx.msk [tilespmem:v52+s16+$0x0], $0xffff;
	v33 =	vand.u32 $0x1C00, v51;
	v51 =	vadd.s32 v0, v50  }
0x109: {  	v59 =	vld.idx.msk [tilespmem:v53+s16+$0x0], $0xffff;
	v60 =	vadd.s32 v3, v50  }
0x10a: {  	v61 =	vadd.s32 v1, v50;
	v37 =	vor.u32 v30, v33;
	v33 =	vld.idx.msk [tilespmem:v32+s16+$0x0], $0xffff  }
0x10b: {  	v62 =	vadd.s32 v4, v50;
	v31 =	vld.idx.msk [tilespmem:v41+s16+$0x0], $0xffff  }
0x10c: {  	s29 =	simm.s32 $0xD200;
	v63 =	vadd.s32 v6, v50;
	v41 =	vld.idx.msk [tilespmem:v42+s16+$0x0], $0xffff  }
0x10d: {  	v54 =	vadd.s32 v4, v37;
	[tilespmem:s29+$0xFFFFFE00] =	vst v39;
	v39 =	vld.idx.msk [tilespmem:v51+s16+$0x0], $0xffff  }
0x10e: {  	v56 =	vadd.s32 v6, v37;
	v42 =	vld.idx.msk [tilespmem:v60+s16+$0x0], $0xffff  }
0x10f: {  	v49 =	vadd.s32 v8, v37;
	v46 =	vld.idx.msk [tilespmem:v61+s16+$0x0], $0xffff  }
0x110: {  	s3 =	simm.s32 $0x18;
	v52 =	vadd.s32 v2, v50;
	[tilespmem:s29+$0xFFFFFE10] =	vst v40;
	v40 =	vld.idx.msk [tilespmem:v62+s16+$0x0], $0xffff  }
0x111: {  	v53 =	vmov s3;
	v57 =	vadd.s32 v8, v50;
	[tilespmem:s29+$0xFFFFFE20] =	vst v44;
	v44 =	vld.idx.msk [tilespmem:v63+s16+$0x0], $0xffff  }
0x112: {  	v47 =	vadd.s32 v1, v37;
	v32 =	vld.idx.msk [tilespmem:v54+s16+$0x0], $0xffff;
	v54 =	vshll.u32 v53, $0x3  }
0x113: {  	v35 =	vld.idx.msk [tilespmem:v56+s16+$0x0], $0xffff;
	v56 =	vadd.s32 v7, v50;
	v53 =	vand.u32 $0x58, v53;
	v54 =	vand.u32 $0x1C00, v54  }
0x114: {  	[tilespmem:s29+$0xFFFFFE70] =	vst v59;
	v36 =	vld.idx.msk [tilespmem:v49+s16+$0x0], $0xffff;
	v49 =	vadd.s32 v7, v38;
	v50 =	vor.u32 v53, v54  }
0x115: {  	[tilespmem:s29+$0xFFFFFE40] =	vst v41;
	v41 =	vld.idx.msk [tilespmem:v52+s16+$0x0], $0xffff;
	v58 =	vadd.s32 v0, v50  }
0x116: {  	[tilespmem:s29+$0xFFFFFE50] =	vst v45;
	v45 =	vld.idx.msk [tilespmem:v57+s16+$0x0], $0xffff;
	v59 =	vadd.s32 v2, v50  }
0x117: {  	v34 =	vld.idx.msk [tilespmem:v47+s16+$0x0], $0xffff;
	v60 =	vadd.s32 v3, v50  }
0x118: {  	s19 =	simm.s32 $0x20;
	[tilespmem:s29+$0xFFFFFE30] =	vst v43;
	v61 =	vadd.s32 v1, v50;
	v43 =	vld.idx.msk [tilespmem:v56+s16+$0x0], $0xffff  }
0x119: {  	[tilespmem:s29+$0xFFFFFE60] =	vst v48;
	v63 =	vmov s19;
	v62 =	vadd.s32 v4, v50;
	v49 =	vld.idx.msk [tilespmem:v49+s16+$0x0], $0xffff  }
0x11a: {  	v57 =	vadd.s32 v6, v50;
	[tilespmem:s29+$0xFFFFFF10] =	vst v41;
	v41 =	vld.idx.msk [tilespmem:v58+s16+$0x0], $0xffff;
	v58 =	vshll.u32 v63, $0x3  }
0x11b: {  	v53 =	vand.u32 $0x60, v63;
	[tilespmem:s29+$0xFFFFFF00] =	vst v39;
	v39 =	vld.idx.msk [tilespmem:v59+s16+$0x0], $0xffff;
	v59 =	vadd.s32 v7, v50;
	v54 =	vand.u32 $0x1C00, v58  }
0x11c: {  	[tilespmem:s29+$0xFFFFFF40] =	vst v40;
	v60 =	vld.idx.msk [tilespmem:v60+s16+$0x0], $0xffff;
	v50 =	vadd.s32 v8, v50;
	v51 =	vor.u32 v53, v54  }
0x11d: {  	[tilespmem:s29+$0xFFFFFF50] =	vst v44;
	v44 =	vld.idx.msk [tilespmem:v61+s16+$0x0], $0xffff;
	v61 =	vadd.s32 v0, v51  }
0x11e: {  	[tilespmem:s29+$0xFFFFFF20] =	vst v42;
	v42 =	vld.idx.msk [tilespmem:v62+s16+$0x0], $0xffff;
	v62 =	vadd.s32 v2, v51  }
0x11f: {  	[tilespmem:s29+$0xFFFFFF30] =	vst v46;
	v46 =	vld.idx.msk [tilespmem:v57+s16+$0x0], $0xffff;
	v63 =	vadd.s32 v3, v51  }
0x120: {  	s3 =	simm.s32 $0x28;
	[tilespmem:s29+$0xFFFFFF60] =	vst v43;
	v57 =	vadd.s32 v1, v51;
	v43 =	vld.idx.msk [tilespmem:v59+s16+$0x0], $0xffff  }
0x121: {  	[tilespmem:s29+$0xFFFFFF70] =	vst v45;
	v58 =	vadd.s32 v4, v51;
	v45 =	vld.idx.msk [tilespmem:v50+s16+$0x0], $0xffff;
	v59 =	vmov s3  }
0x122: {  	[tilespmem:s29+$0xFFFFFFA0] =	vst v60;
	v60 =	vadd.s32 v6, v51;
	v40 =	vld.idx.msk [tilespmem:v61+s16+$0x0], $0xffff;
	v61 =	vshll.u32 v59, $0x3  }
0x123: {  	[tilespmem:s29+$0xFFFFFF90] =	vst v39;
	v53 =	vand.u32 $0x68, v59;
	v39 =	vld.idx.msk [tilespmem:v62+s16+$0x0], $0xffff;
	v62 =	vadd.s32 v7, v51;
	v54 =	vand.u32 $0x1C00, v61  }
0x124: {  	[tilespmem:s29+$0xFFFFFFC0] =	vst v42;
	v42 =	vld.idx.msk [tilespmem:v63+s16+$0x0], $0xffff;
	v63 =	vadd.s32 v8, v51;
	v51 =	vor.u32 v53, v54  }
0x125: {  	[tilespmem:s29+$0xFFFFFFD0] =	vst v46;
	v46 =	vld.idx.msk [tilespmem:v57+s16+$0x0], $0xffff;
	v56 =	vadd.s32 v0, v51  }
0x126: {  	[tilespmem:s29+$0xFFFFFFE0] =	vst v43;
	v43 =	vld.idx.msk [tilespmem:v58+s16+$0x0], $0xffff;
	v57 =	vadd.s32 v8, v51  }
0x127: {  	[tilespmem:s29+$0xFFFFFFF0] =	vst v45;
	v45 =	vld.idx.msk [tilespmem:v60+s16+$0x0], $0xffff;
	v58 =	vadd.s32 v2, v51  }
0x128: {  	[tilespmem:s29+$0xFFFFFF80] =	vst v41;
	v60 =	vadd.s32 v3, v51;
	v59 =	vld.idx.msk [tilespmem:v62+s16+$0x0], $0xffff  }
0x129: {  	[tilespmem:s29+$0xFFFFFFB0] =	vst v44;
	v61 =	vld.idx.msk [tilespmem:v63+s16+$0x0], $0xffff;
	v62 =	vadd.s32 v1, v51  }
0x12a: {  	[tilespmem:s29+$0x0] =	vst v40;
	v63 =	vadd.s32 v6, v51;
	v40 =	vld.idx.msk [tilespmem:v56+s16+$0x0], $0xffff  }
0x12b: {  	[tilespmem:s29+$0x30] =	vst v46;
	v46 =	vadd.s32 v4, v38;
	v50 =	vld.idx.msk [tilespmem:v57+s16+$0x0], $0xffff  }
0x12c: {  	[tilespmem:s29+$0x10] =	vst v39;
	v56 =	vadd.s32 v7, v51;
	v57 =	vld.idx.msk [tilespmem:v58+s16+$0x0], $0xffff  }
0x12d: {  	[tilespmem:s29+$0x40] =	vst v43;
	v51 =	vadd.s32 v4, v51;
	v43 =	vld.idx.msk [tilespmem:v60+s16+$0x0], $0xffff  }
0x12e: {  	[tilespmem:s29+$0x20] =	vst v42;
	v58 =	vadd.s32 v2, v38;
	v41 =	vld.idx.msk [tilespmem:v62+s16+$0x0], $0xffff  }
0x12f: {  	s19 =	simm.s32 $0x30;
	[tilespmem:s29+$0x60] =	vst v59;
	v59 =	vadd.s32 v0, v38;
	v44 =	vld.idx.msk [tilespmem:v63+s16+$0x0], $0xffff  }
0x130: {  	v30 =	vadd.s32 v3, v37;
	[tilespmem:s29+$0x50] =	vst v45;
	v60 =	vmov s19;
	v55 =	vld.idx.msk [tilespmem:v46+s16+$0x0], $0xffff  }
0x131: {  	[tilespmem:s29+$0x70] =	vst v61;
	v61 =	vadd.s32 v1, v38;
	v62 =	vshll.u32 v60, $0x3;
	v45 =	vld.idx.msk [tilespmem:v56+s16+$0x0], $0xffff  }
0x132: {  	v63 =	vand.u32 $0x70, v60;
	v38 =	vadd.s32 v3, v38;
	v48 =	vld.idx.msk [tilespmem:v51+s16+$0x0], $0xffff;
	v56 =	vand.u32 $0x1C00, v62;
	[tilespmem:s29+$0x90] =	vst v57  }
0x133: {  	v57 =	vld.idx.msk [tilespmem:v58+s16+$0x0], $0xffff;
	v58 =	vadd.s32 v7, v37;
	[tilespmem:s29+$0xF0] =	vst v50;
	v51 =	vor.u32 v63, v56  }
0x134: {  	[tilespmem:s29+$0xA0] =	vst v43;
	v47 =	vld.idx.msk [tilespmem:v59+s16+$0x0], $0xffff;
	v59 =	vadd.s32 v0, v51  }
0x135: {  	v30 =	vld.idx.msk [tilespmem:v30+s16+$0x0], $0xffff;
	[tilespmem:s29+$0x80] =	vst v40;
	v60 =	vadd.s32 v2, v51  }
0x136: {  	[tilespmem:s29+$0xB0] =	vst v41;
	v61 =	vld.idx.msk [tilespmem:v61+s16+$0x0], $0xffff;
	v62 =	vadd.s32 v3, v51  }
0x137: {  	[tilespmem:s29+$0xD0] =	vst v44;
	v63 =	vadd.s32 v1, v51;
	v44 =	vld.idx.msk [tilespmem:v38+s16+$0x0], $0xffff  }
0x138: {  	v39 =	vadd.s32 v2, v37;
	[tilespmem:s29+$0x1E0] =	vst v49;
	v43 =	vld.idx.msk [tilespmem:v58+s16+$0x0], $0xffff  }
0x139: {  	v38 =	vadd.s32 v0, v37;
	[tilespmem:s29+$0x1C0] =	vst v55;
	v42 =	vld.idx.msk [tilespmem:v59+s16+$0x0], $0xffff  }
0x13a: {  	v41 =	vadd.s32 v4, v51;
	[tilespmem:s29+$0x190] =	vst v57;
	v46 =	vld.idx.msk [tilespmem:v60+s16+$0x0], $0xffff  }
0x13b: {  	v50 =	vadd.s32 v6, v51;
	[tilespmem:s29+$0x180] =	vst v47;
	v49 =	vld.idx.msk [tilespmem:v62+s16+$0x0], $0xffff  }
0x13c: {  	s30 =	simm.s32 $0x0;
	s31 =	simm.s32 $0x40;
	s1 =	simm.s32 $0xD600;
	v37 =	vadd.s32 v8, v51;
	v40 =	vadd.s32 v7, v51;
	[tilespmem:s29+$0x1B0] =	vst v61;
	v47 =	vld.idx.msk [tilespmem:v63+s16+$0x0], $0xffff  }
.LBB2_8:
0x13d: {  	v51 =	vmov s31;
	s3 =	sadd.s32 $0x18, s31;
	s19 =	sadd.s32 $0x30, s31;
	s30 =	sadd.s32 $0x8, s30;
	v52 =	vld.idx.msk [tilespmem:v39+s16+$0x0], $0xffff;
	[tilespmem:s29+$0x1D0] =	vst v33  }
0x13e: {  	v33 =	vand.u32 $0x40, v51;
	v39 =	vshll.u32 v51, $0x3;
	v51 =	vmov s3;
	s3 =	sadd.s32 $0x38, s31;
	p1 =	slt.u32 s30, $0x78;
	v53 =	vld.idx.msk [tilespmem:v38+s16+$0x0], $0xffff;
	[tilespmem:s29+$0xC0] =	vst v48  }
0x13f: {  	v48 =	vmov s19;
	v38 =	vand.u32 $0x1C00, v39;
	v39 =	vshll.u32 v51, $0x3;
	[tilespmem:s29+$0xFFFFFEF0] =	vst v36;
	v36 =	vld.idx.msk [tilespmem:v41+s16+$0x0], $0xffff  }
0x140: {  	v33 =	vor.u32 v33, v38;
	v54 =	vand.u32 $0x1C00, v39;
	v38 =	vmov s3;
	v39 =	vld.idx.msk [tilespmem:v50+s16+$0x0], $0xffff;
	[tilespmem:s29+$0x1F0] =	vst v31  }
0x141: {  	v31 =	vadd.s32 v0, v33;
	v33 =	vadd.s32 v1, v33;
	v41 =	vand.u32 $0x78, v38;
	[tilespmem:s29+$0xFFFFFED0] =	vst v35;
	v35 =	vld.idx.msk [tilespmem:v40+s16+$0x0], $0xffff  }
0x142: {  	v50 =	vand.u32 $0x70, v48;
	v48 =	vshll.u32 v48, $0x3;
	v40 =	vor.u32 $0x1, v31;
	[tilespmem:s29+$0xFFFFFEB0] =	vst v34;
	v34 =	vld.idx.msk [tilespmem:v37+s16+$0x0], $0xffff  }
0x143: {  	s3 =	sadd.s32 $0x8, s31;
	v38 =	vshll.u32 v38, $0x3;
	v37 =	vor.u32 $0x2, v31;
	v55 =	vor.u32 $0x5, v31;
	[tilespmem:s29+$0xE0] =	vst v45  }
0x144: {  	v56 =	vmov s3;
	v38 =	vand.u32 $0x1C00, v38;
	v45 =	vor.u32 $0x4, v31;
	[tilespmem:s29+$0xFFFFFEC0] =	vst v32  }
0x145: {  	v41 =	vor.u32 v41, v38;
	v32 =	vand.u32 $0x48, v56;
	v56 =	vshll.u32 v56, $0x3;
	[tilespmem:s29+$0x120] =	vst v49  }
0x146: {  	v57 =	vor.u32 $0x6, v31;
	v38 =	vand.u32 $0x1C00, v56;
	v56 =	vadd.s32 v6, v41;
	v49 =	vld.idx.msk [tilespmem:v31+s16+$0x0], $0xffff;
	[tilespmem:s29+$0x150] =	vst v39  }
0x147: {  	v59 =	vor.u32 $0x7, v31;
	v32 =	vor.u32 v32, v38;
	v31 =	vadd.s32 v8, v41;
	v58 =	vld.idx.msk [tilespmem:v40+s16+$0x0], $0xffff;
	[tilespmem:s29+$0x140] =	vst v36  }
0x148: {  	v38 =	vadd.s32 v0, v32;
	v60 =	vld.idx.msk [tilespmem:v33+s16+$0x0], $0xffff;
	v33 =	vand.u32 $0x1C00, v48;
	[tilespmem:s29+$0x170] =	vst v34  }
0x149: {  	v39 =	vadd.s32 v2, v32;
	v48 =	vld.idx.msk [tilespmem:v37+s16+$0x0], $0xffff;
	v40 =	vor.u32 v50, v33;
	[tilespmem:s29+$0xFFFFFEA0] =	vst v30  }
0x14a: {  	v30 =	vadd.s32 v3, v32;
	v50 =	vld.idx.msk [tilespmem:v55+s16+$0x0], $0xffff;
	v37 =	vadd.s32 v8, v40;
	[tilespmem:s29+$0x130] =	vst v47  }
0x14b: {  	s3 =	sadd.s32 $0x10, s31;
	v34 =	vadd.s32 v1, v32;
	v33 =	vld.idx.msk [tilespmem:v56+s16+$0x0], $0xffff;
	[tilespmem:s29+$0xFFFFFE90] =	vst v52  }
0x14c: {  	v36 =	vadd.s32 v4, v32;
	v47 =	vmov s3;
	v31 =	vld.idx.msk [tilespmem:v31+s16+$0x0], $0xffff;
	[tilespmem:s29+$0x100] =	vst v42  }
0x14d: {  	v52 =	vadd.s32 v6, v32;
	v55 =	vshll.u32 v47, $0x3;
	v45 =	vld.idx.msk [tilespmem:v45+s16+$0x0], $0xffff;
	[tilespmem:s29+$0x110] =	vst v46  }
0x14e: {  	v47 =	vand.u32 $0x50, v47;
	v42 =	vadd.s32 v7, v32;
	v55 =	vand.u32 $0x1C00, v55;
	v46 =	vld.idx.msk [tilespmem:v57+s16+$0x0], $0xffff;
	[tilespmem:s29+$0x1A0] =	vst v44  }
0x14f: {  	v56 =	vadd.s32 v8, v32;
	v47 =	vor.u32 v47, v55;
	v44 =	vld.idx.msk [tilespmem:v59+s16+$0x0], $0xffff;
	[tilespmem:s29+$0x160] =	vst v35  }
0x150: {  	v55 =	vadd.s32 v0, v47;
	v30 =	vld.idx.msk [tilespmem:v30+s16+$0x0], $0xffff;
	[tilespmem:s29+$0xFFFFFE80] =	vst v53  }
0x151: {  	v53 =	vadd.s32 v2, v47;
	v32 =	vld.idx.msk [tilespmem:v36+s16+$0x0], $0xffff;
	[tilespmem:s29+$0xFFFFFEE0] =	vst v43;
	s29 =	smov.u32 s1  }
0x152: {  	v43 =	vadd.s32 v3, v47;
	[tilespmem:s1+$0xFFFFFE00] =	vst v49;
	v35 =	vld.idx.msk [tilespmem:v52+s16+$0x0], $0xffff  }
0x153: {  	[tilespmem:s1+$0xFFFFFE40] =	vst v45;
	v34 =	vld.idx.msk [tilespmem:v34+s16+$0x0], $0xffff;
	v45 =	vadd.s32 v1, v47  }
0x154: {  	[tilespmem:s1+$0xFFFFFE60] =	vst v46;
	v36 =	vld.idx.msk [tilespmem:v56+s16+$0x0], $0xffff;
	v46 =	vadd.s32 v4, v47  }
0x155: {  	v49 =	vadd.s32 v6, v47;
	[tilespmem:s1+$0xFFFFFE70] =	vst v44;
	v44 =	vld.idx.msk [tilespmem:v55+s16+$0x0], $0xffff  }
0x156: {  	v51 =	vand.u32 $0x58, v51;
	[tilespmem:s1+$0xFFFFFE10] =	vst v58;
	v52 =	vld.idx.msk [tilespmem:v53+s16+$0x0], $0xffff;
	v53 =	vadd.s32 v7, v47  }
0x157: {  	v47 =	vadd.s32 v8, v47;
	[tilespmem:s1+$0xFFFFFE20] =	vst v48;
	v43 =	vld.idx.msk [tilespmem:v43+s16+$0x0], $0xffff;
	v48 =	vor.u32 v51, v54  }
0x158: {  	[tilespmem:s1+$0xFFFFFE30] =	vst v60;
	v45 =	vld.idx.msk [tilespmem:v45+s16+$0x0], $0xffff;
	v51 =	vadd.s32 v0, v48  }
0x159: {  	[tilespmem:s1+$0xFFFFFE50] =	vst v50;
	v46 =	vld.idx.msk [tilespmem:v46+s16+$0x0], $0xffff;
	v50 =	vadd.s32 v2, v48  }
0x15a: {  	v54 =	vadd.s32 v3, v48;
	v49 =	vld.idx.msk [tilespmem:v49+s16+$0x0], $0xffff  }
0x15b: {  	s3 =	sadd.s32 $0x20, s31;
	v55 =	vadd.s32 v1, v48;
	v53 =	vld.idx.msk [tilespmem:v53+s16+$0x0], $0xffff  }
0x15c: {  	v57 =	vmov s3;
	v56 =	vadd.s32 v4, v48;
	v47 =	vld.idx.msk [tilespmem:v47+s16+$0x0], $0xffff  }
0x15d: {  	v58 =	vshll.u32 v57, $0x3;
	[tilespmem:s1+$0xFFFFFF10] =	vst v52;
	v51 =	vld.idx.msk [tilespmem:v51+s16+$0x0], $0xffff;
	v52 =	vadd.s32 v6, v48  }
0x15e: {  	v57 =	vand.u32 $0x60, v57;
	v58 =	vand.u32 $0x1C00, v58;
	[tilespmem:s1+$0xFFFFFF00] =	vst v44;
	v44 =	vld.idx.msk [tilespmem:v50+s16+$0x0], $0xffff;
	v50 =	vadd.s32 v7, v48  }
0x15f: {  	v48 =	vadd.s32 v8, v48;
	[tilespmem:s1+$0xFFFFFF40] =	vst v46;
	v46 =	vld.idx.msk [tilespmem:v54+s16+$0x0], $0xffff;
	v54 =	vor.u32 v57, v58  }
0x160: {  	[tilespmem:s1+$0xFFFFFF50] =	vst v49;
	v49 =	vld.idx.msk [tilespmem:v55+s16+$0x0], $0xffff;
	v55 =	vadd.s32 v0, v54  }
0x161: {  	[tilespmem:s1+$0xFFFFFF20] =	vst v43;
	v43 =	vld.idx.msk [tilespmem:v56+s16+$0x0], $0xffff;
	v56 =	vadd.s32 v2, v54  }
0x162: {  	[tilespmem:s1+$0xFFFFFF30] =	vst v45;
	v45 =	vld.idx.msk [tilespmem:v52+s16+$0x0], $0xffff;
	v52 =	vadd.s32 v3, v54  }
0x163: {  	s3 =	sadd.s32 $0x28, s31;
	[tilespmem:s1+$0xFFFFFF60] =	vst v53;
	v50 =	vld.idx.msk [tilespmem:v50+s16+$0x0], $0xffff;
	v53 =	vadd.s32 v1, v54  }
0x164: {  	v57 =	vmov s3;
	[tilespmem:s1+$0xFFFFFF70] =	vst v47;
	v47 =	vld.idx.msk [tilespmem:v48+s16+$0x0], $0xffff;
	v48 =	vadd.s32 v4, v54  }
0x165: {  	v58 =	vshll.u32 v57, $0x3;
	[tilespmem:s1+$0xFFFFFFA0] =	vst v46;
	v46 =	vld.idx.msk [tilespmem:v55+s16+$0x0], $0xffff;
	v55 =	vadd.s32 v6, v54  }
0x166: {  	v57 =	vand.u32 $0x68, v57;
	v58 =	vand.u32 $0x1C00, v58;
	[tilespmem:s1+$0xFFFFFF90] =	vst v44;
	v44 =	vld.idx.msk [tilespmem:v56+s16+$0x0], $0xffff;
	v56 =	vadd.s32 v7, v54  }
0x167: {  	[tilespmem:s1+$0xFFFFFFC0] =	vst v43;
	v43 =	vld.idx.msk [tilespmem:v52+s16+$0x0], $0xffff;
	v52 =	vadd.s32 v8, v54;
	v54 =	vor.u32 v57, v58  }
0x168: {  	[tilespmem:s1+$0xFFFFFFD0] =	vst v45;
	v53 =	vld.idx.msk [tilespmem:v53+s16+$0x0], $0xffff;
	v45 =	vadd.s32 v0, v54  }
0x169: {  	[tilespmem:s1+$0xFFFFFFE0] =	vst v50;
	v48 =	vld.idx.msk [tilespmem:v48+s16+$0x0], $0xffff;
	v50 =	vadd.s32 v8, v54  }
0x16a: {  	[tilespmem:s1+$0xFFFFFFF0] =	vst v47;
	v47 =	vld.idx.msk [tilespmem:v55+s16+$0x0], $0xffff;
	v55 =	vadd.s32 v2, v54  }
0x16b: {  	[tilespmem:s1+$0xFFFFFF80] =	vst v51;
	v51 =	vld.idx.msk [tilespmem:v56+s16+$0x0], $0xffff;
	v56 =	vadd.s32 v3, v54  }
0x16c: {  	[tilespmem:s1+$0xFFFFFFB0] =	vst v49;
	v49 =	vld.idx.msk [tilespmem:v52+s16+$0x0], $0xffff;
	v52 =	vadd.s32 v1, v54  }
0x16d: {  	[tilespmem:s1+$0x0] =	vst v46;
	v46 =	vld.idx.msk [tilespmem:v45+s16+$0x0], $0xffff;
	v45 =	vadd.s32 v6, v54  }
0x16e: {  	[tilespmem:s1+$0x10] =	vst v44;
	v44 =	vadd.s32 v7, v54;
	v50 =	vld.idx.msk [tilespmem:v50+s16+$0x0], $0xffff  }
0x16f: {  	v54 =	vadd.s32 v4, v54;
	[tilespmem:s1+$0x20] =	vst v43;
	v43 =	vld.idx.msk [tilespmem:v55+s16+$0x0], $0xffff  }
0x170: {  	[tilespmem:s1+$0x40] =	vst v48;
	v55 =	vld.idx.msk [tilespmem:v56+s16+$0x0], $0xffff;
	v56 =	vadd.s32 v2, v41  }
0x171: {  	[tilespmem:s1+$0x60] =	vst v51;
	v51 =	vld.idx.msk [tilespmem:v52+s16+$0x0], $0xffff;
	v52 =	vadd.s32 v0, v41  }
0x172: {  	v57 =	vadd.s32 v7, v41;
	[tilespmem:s1+$0x70] =	vst v49;
	v49 =	vld.idx.msk [tilespmem:v45+s16+$0x0], $0xffff  }
0x173: {  	[tilespmem:s1+$0x50] =	vst v47;
	v45 =	vld.idx.msk [tilespmem:v44+s16+$0x0], $0xffff;
	v44 =	vadd.s32 v1, v41  }
0x174: {  	v47 =	vadd.s32 v4, v41;
	[tilespmem:s1+$0x30] =	vst v53;
	v48 =	vld.idx.msk [tilespmem:v54+s16+$0x0], $0xffff  }
0x175: {  	v41 =	vadd.s32 v3, v41;
	[tilespmem:s1+$0x90] =	vst v43;
	v53 =	vld.idx.msk [tilespmem:v56+s16+$0x0], $0xffff  }
0x176: {  	[tilespmem:s1+$0xF0] =	vst v50;
	v50 =	vld.idx.msk [tilespmem:v52+s16+$0x0], $0xffff  }
0x177: {  	v52 =	vadd.s32 v0, v40;
	[tilespmem:s1+$0xA0] =	vst v55;
	v54 =	vld.idx.msk [tilespmem:v57+s16+$0x0], $0xffff  }
0x178: {  	[tilespmem:s1+$0xB0] =	vst v51;
	v51 =	vadd.s32 v2, v40;
	v55 =	vld.idx.msk [tilespmem:v44+s16+$0x0], $0xffff  }
0x179: {  	[tilespmem:s1+$0xD0] =	vst v49;
	v49 =	vadd.s32 v3, v40;
	v56 =	vld.idx.msk [tilespmem:v47+s16+$0x0], $0xffff  }
0x17a: {  	v47 =	vadd.s32 v1, v40;
	[tilespmem:s1+$0x80] =	vst v46;
	v44 =	vld.idx.msk [tilespmem:v41+s16+$0x0], $0xffff  }
.Ltmp8:
0x17b: {  	v43 =	vld.idx.msk [tilespmem:v42+s16+$0x0], $0xffff;
	[tilespmem:s1+$0x190] =	vst v53;
	(pc) =	sbr.rel @p1 .LBB2_8-.Ltmp8, $4  }
0x17c: {  	v42 =	vld.idx.msk [tilespmem:v52+s16+$0x0], $0xffff;
	[tilespmem:s1+$0x180] =	vst v50  }
0x17d: {  	v41 =	vadd.s32 v4, v40;
	v46 =	vld.idx.msk [tilespmem:v51+s16+$0x0], $0xffff;
	[tilespmem:s1+$0x1E0] =	vst v54  }
0x17e: {  	v50 =	vadd.s32 v6, v40;
	v49 =	vld.idx.msk [tilespmem:v49+s16+$0x0], $0xffff;
	[tilespmem:s1+$0x1B0] =	vst v55  }
0x17f: {  	s31 =	sadd.s32 $0x40, s31;
	v40 =	vadd.s32 v7, v40;
	s1 =	sadd.s32 $0x400, s1;
	v47 =	vld.idx.msk [tilespmem:v47+s16+$0x0], $0xffff;
	[tilespmem:s29+$0x1C0] =	vst v56  }
0x180: {  	_ =	sdelay $0x2  }
0x181: {  	[tilespmem:s29+$0x1D0] =	vst v33  }
0x182: {  	v39 =	vld.idx.msk [tilespmem:v39+s16+$0x0], $0xffff;
	[tilespmem:s29+$0xC0] =	vst v48  }
0x183: {  	v60 =	vld.idx.msk [tilespmem:v38+s16+$0x0], $0xffff;
	[tilespmem:s29+$0xFFFFFEF0] =	vst v36  }
0x184: {  	[tilespmem:s29+$0x1F0] =	vst v31  }
0x185: {  	[tilespmem:s29+$0xFFFFFED0] =	vst v35  }
0x186: {  	[tilespmem:s29+$0xFFFFFEB0] =	vst v34  }
0x187: {  	[tilespmem:s29+$0xE0] =	vst v45  }
0x188: {  	[tilespmem:s29+$0xFFFFFEC0] =	vst v32  }
0x189: {  	v31 =	vld.idx.msk [tilespmem:v50+s16+$0x0], $0xffff;
	[tilespmem:s29+$0xFFFFFEA0] =	vst v30  }
0x18a: {  	v61 =	vld.idx.msk [tilespmem:v41+s16+$0x0], $0xffff;
	[tilespmem:s29+$0x1A0] =	vst v44  }
0x18b: {  	v62 =	vld.idx.msk [tilespmem:v37+s16+$0x0], $0xffff;
	[tilespmem:s29+$0xFFFFFEE0] =	vst v43  }
0x18c: {  	v63 =	vld.idx.msk [tilespmem:v40+s16+$0x0], $0xffff;
	[tilespmem:s29+$0x100] =	vst v42  }
0x18d: {  	[tilespmem:s29+$0x110] =	vst v46  }
0x18e: {  	[tilespmem:s29+$0x120] =	vst v49  }
0x18f: {  	[tilespmem:s29+$0x130] =	vst v47  }
0x190: {  	[tilespmem:s29+$0x150] =	vst v31  }
0x191: {  	[tilespmem:s29+$0x140] =	vst v61  }
.Ltmp9:
0x192: {  	[tilespmem:s29+$0x170] =	vst v62;
	(pc) =	sbr.rel .LBB2_10-.Ltmp9, $4  }
0x193: {  	[tilespmem:s29+$0xFFFFFE90] =	vst v39  }
0x194: {  	s1 =	sshll.u32 s28, $0xB;
	[tilespmem:s29+$0x160] =	vst v63  }
0x195: {  	s1 =	sadd.s32 s2, s1;
	[tilespmem:s29+$0xFFFFFE80] =	vst v60  }
0x196: {  	[hbm4b:s1+s4] =	stream.linear.scatter [tilespmem:s17], [sflag:$0x4], $0x4000, $0x38;
	[tilespmem:$0x11C00] =	vst v63  }
.LBB2_12:
0x197: {  	s1 =	simm.s32 $0x400  }
0x198: {  	[tilespmem:s22], [sflag:$0x5] =	stream.strided.gather [hbm4b:s8+s1], $0x800, s21, s1, $0x38;
	[tilespmem:$0x11C00] =	vst v63  }
0x199: {  	_ =	swait.ge [sflag:s23], $0x800  }
0x19a: {  	[sflag:s23] =	ssyncset.done $0x0  }
0x19b: {  	[sflag:s23] =	ssyncadd.s32 $0xFFFFF800  }
0x19c: {  	v30 =	vld.idx.msk [tilespmem:v5+s22+$0x0], $0xffff  }
0x19d: {  	v31 =	vld.idx.msk [tilespmem:v9+s22+$0x0], $0xffff  }
0x19e: {  	v32 =	vld.idx.msk [tilespmem:v10+s22+$0x0], $0xffff  }
0x19f: {  	v33 =	vld.idx.msk [tilespmem:v11+s22+$0x0], $0xffff  }
0x1a0: {  	v34 =	vld.idx.msk [tilespmem:v12+s22+$0x0], $0xffff  }
0x1a1: {  	v35 =	vld.idx.msk [tilespmem:v13+s22+$0x0], $0xffff  }
0x1a2: {  	v36 =	vld.idx.msk [tilespmem:v14+s22+$0x0], $0xffff  }
0x1a3: {  	v37 =	vld.idx.msk [tilespmem:v15+s22+$0x0], $0xffff;
	[tilespmem:$0x11000] =	vst v30  }
0x1a4: {  	v42 =	vld.idx.msk [tilespmem:v18+s22+$0x0], $0xffff;
	[tilespmem:$0x11010] =	vst v31  }
0x1a5: {  	v43 =	vld.idx.msk [tilespmem:v19+s22+$0x0], $0xffff;
	[tilespmem:$0x11020] =	vst v32  }
0x1a6: {  	v44 =	vld.idx.msk [tilespmem:v20+s22+$0x0], $0xffff;
	[tilespmem:$0x11030] =	vst v33  }
0x1a7: {  	v45 =	vld.idx.msk [tilespmem:v21+s22+$0x0], $0xffff;
	[tilespmem:$0x11040] =	vst v34  }
0x1a8: {  	v46 =	vld.idx.msk [tilespmem:v22+s22+$0x0], $0xffff;
	[tilespmem:$0x11050] =	vst v35  }
0x1a9: {  	v47 =	vld.idx.msk [tilespmem:v23+s22+$0x0], $0xffff;
	[tilespmem:$0x11060] =	vst v36  }
0x1aa: {  	v30 =	vld.idx.msk [tilespmem:v16+s22+$0x0], $0xffff;
	[tilespmem:$0x11070] =	vst v37  }
0x1ab: {  	v38 =	vor.u32 $0x16, v5;
	v31 =	vld.idx.msk [tilespmem:v17+s22+$0x0], $0xffff;
	[tilespmem:$0x110A0] =	vst v42  }
0x1ac: {  	v39 =	vor.u32 $0x17, v5;
	v48 =	vld.idx.msk [tilespmem:v26+s22+$0x0], $0xffff;
	[tilespmem:$0x110B0] =	vst v43  }
0x1ad: {  	v49 =	vld.idx.msk [tilespmem:v27+s22+$0x0], $0xffff;
	[tilespmem:$0x110C0] =	vst v44  }
0x1ae: {  	v50 =	vld.idx.msk [tilespmem:v28+s22+$0x0], $0xffff;
	[tilespmem:$0x110D0] =	vst v45  }
0x1af: {  	v53 =	vor.u32 $0x1B, v5;
	v51 =	vld.idx.msk [tilespmem:v29+s22+$0x0], $0xffff;
	[tilespmem:$0x110E0] =	vst v46  }
0x1b0: {  	v55 =	vor.u32 $0x1C, v5;
	v52 =	vld.idx.msk [tilespmem:v38+s22+$0x0], $0xffff;
	[tilespmem:$0x110F0] =	vst v47  }
0x1b1: {  	v54 =	vld.idx.msk [tilespmem:v39+s22+$0x0], $0xffff;
	v42 =	vor.u32 $0x1A, v5;
	[tilespmem:$0x11080] =	vst v30  }
0x1b2: {  	v56 =	vor.u32 $0x1D, v5;
	v30 =	vld.idx.msk [tilespmem:v24+s22+$0x0], $0xffff;
	[tilespmem:$0x11090] =	vst v31  }
0x1b3: {  	v57 =	vor.u32 $0x1E, v5;
	v31 =	vld.idx.msk [tilespmem:v25+s22+$0x0], $0xffff;
	[tilespmem:$0x11120] =	vst v48  }
0x1b4: {  	v59 =	vor.u32 $0x1F, v5;
	v60 =	vld.idx.msk [tilespmem:v53+s22+$0x0], $0xffff;
	[tilespmem:$0x11130] =	vst v49  }
0x1b5: {  	v40 =	vor.u32 $0x18, v5;
	v62 =	vld.idx.msk [tilespmem:v55+s22+$0x0], $0xffff;
	[tilespmem:$0x11140] =	vst v50  }
0x1b6: {  	v41 =	vor.u32 $0x19, v5;
	v58 =	vld.idx.msk [tilespmem:v42+s22+$0x0], $0xffff;
	[tilespmem:$0x11150] =	vst v51  }
0x1b7: {  	v45 =	vld.idx.msk [tilespmem:v56+s22+$0x0], $0xffff;
	v46 =	vor.u32 $0x22, v5;
	[tilespmem:$0x11160] =	vst v52  }
0x1b8: {  	v47 =	vld.idx.msk [tilespmem:v57+s22+$0x0], $0xffff;
	v48 =	vor.u32 $0x23, v5;
	[tilespmem:$0x11170] =	vst v54  }
0x1b9: {  	v49 =	vld.idx.msk [tilespmem:v59+s22+$0x0], $0xffff;
	v50 =	vor.u32 $0x24, v5;
	[tilespmem:$0x11100] =	vst v30  }
0x1ba: {  	v51 =	vor.u32 $0x25, v5;
	v30 =	vld.idx.msk [tilespmem:v40+s22+$0x0], $0xffff;
	[tilespmem:$0x11110] =	vst v31  }
0x1bb: {  	v61 =	vor.u32 $0x20, v5;
	v31 =	vld.idx.msk [tilespmem:v41+s22+$0x0], $0xffff;
	[tilespmem:$0x111A0] =	vst v58  }
0x1bc: {  	v63 =	vor.u32 $0x21, v5;
	v53 =	vld.idx.msk [tilespmem:v46+s22+$0x0], $0xffff;
	[tilespmem:$0x111B0] =	vst v60  }
0x1bd: {  	v52 =	vor.u32 $0x26, v5;
	v55 =	vld.idx.msk [tilespmem:v48+s22+$0x0], $0xffff;
	[tilespmem:$0x111C0] =	vst v62  }
0x1be: {  	v54 =	vor.u32 $0x27, v5;
	v57 =	vld.idx.msk [tilespmem:v50+s22+$0x0], $0xffff;
	[tilespmem:$0x111D0] =	vst v45  }
0x1bf: {  	v59 =	vld.idx.msk [tilespmem:v51+s22+$0x0], $0xffff;
	v60 =	vor.u32 $0x2A, v5;
	[tilespmem:$0x111E0] =	vst v47  }
0x1c0: {  	v62 =	vor.u32 $0x2B, v5;
	[tilespmem:$0x11180] =	vst v30;
	v30 =	vld.idx.msk [tilespmem:v61+s22+$0x0], $0xffff  }
0x1c1: {  	v45 =	vor.u32 $0x2C, v5;
	[tilespmem:$0x11190] =	vst v31;
	v31 =	vld.idx.msk [tilespmem:v63+s22+$0x0], $0xffff  }
0x1c2: {  	v46 =	vor.u32 $0x2D, v5;
	[tilespmem:$0x111F0] =	vst v49;
	v61 =	vld.idx.msk [tilespmem:v52+s22+$0x0], $0xffff  }
0x1c3: {  	v56 =	vor.u32 $0x28, v5;
	v63 =	vld.idx.msk [tilespmem:v54+s22+$0x0], $0xffff;
	[tilespmem:$0x11220] =	vst v53  }
0x1c4: {  	v58 =	vor.u32 $0x29, v5;
	v48 =	vld.idx.msk [tilespmem:v60+s22+$0x0], $0xffff;
	[tilespmem:$0x11230] =	vst v55  }
0x1c5: {  	v47 =	vor.u32 $0x2E, v5;
	v50 =	vld.idx.msk [tilespmem:v62+s22+$0x0], $0xffff;
	[tilespmem:$0x11240] =	vst v57  }
0x1c6: {  	v49 =	vor.u32 $0x2F, v5;
	v52 =	vld.idx.msk [tilespmem:v45+s22+$0x0], $0xffff;
	[tilespmem:$0x11250] =	vst v59  }
0x1c7: {  	v54 =	vld.idx.msk [tilespmem:v46+s22+$0x0], $0xffff;
	v55 =	vor.u32 $0x32, v5;
	[tilespmem:$0x11200] =	vst v30  }
0x1c8: {  	v57 =	vor.u32 $0x33, v5;
	v30 =	vld.idx.msk [tilespmem:v56+s22+$0x0], $0xffff;
	[tilespmem:$0x11210] =	vst v31  }
0x1c9: {  	v59 =	vor.u32 $0x34, v5;
	v31 =	vld.idx.msk [tilespmem:v58+s22+$0x0], $0xffff;
	[tilespmem:$0x11260] =	vst v61  }
0x1ca: {  	v60 =	vor.u32 $0x35, v5;
	v56 =	vld.idx.msk [tilespmem:v47+s22+$0x0], $0xffff;
	[tilespmem:$0x11270] =	vst v63  }
0x1cb: {  	v51 =	vor.u32 $0x30, v5;
	v58 =	vld.idx.msk [tilespmem:v49+s22+$0x0], $0xffff;
	[tilespmem:$0x112A0] =	vst v48  }
0x1cc: {  	v53 =	vor.u32 $0x31, v5;
	v62 =	vld.idx.msk [tilespmem:v55+s22+$0x0], $0xffff;
	[tilespmem:$0x112B0] =	vst v50  }
0x1cd: {  	v61 =	vor.u32 $0x36, v5;
	v45 =	vld.idx.msk [tilespmem:v57+s22+$0x0], $0xffff;
	[tilespmem:$0x112C0] =	vst v52  }
0x1ce: {  	v63 =	vor.u32 $0x37, v5;
	v47 =	vld.idx.msk [tilespmem:v59+s22+$0x0], $0xffff;
	[tilespmem:$0x112D0] =	vst v54  }
0x1cf: {  	v49 =	vld.idx.msk [tilespmem:v60+s22+$0x0], $0xffff;
	v50 =	vor.u32 $0x3A, v5;
	[tilespmem:$0x11280] =	vst v30  }
0x1d0: {  	v52 =	vor.u32 $0x3B, v5;
	v30 =	vld.idx.msk [tilespmem:v51+s22+$0x0], $0xffff;
	[tilespmem:$0x11290] =	vst v31  }
0x1d1: {  	v54 =	vor.u32 $0x3C, v5;
	v31 =	vld.idx.msk [tilespmem:v53+s22+$0x0], $0xffff;
	[tilespmem:$0x112E0] =	vst v56  }
0x1d2: {  	v55 =	vor.u32 $0x3D, v5;
	v51 =	vld.idx.msk [tilespmem:v61+s22+$0x0], $0xffff;
	[tilespmem:$0x112F0] =	vst v58  }
0x1d3: {  	v46 =	vor.u32 $0x38, v5;
	v53 =	vld.idx.msk [tilespmem:v63+s22+$0x0], $0xffff;
	[tilespmem:$0x11320] =	vst v62  }
0x1d4: {  	v48 =	vor.u32 $0x39, v5;
	v57 =	vld.idx.msk [tilespmem:v50+s22+$0x0], $0xffff;
	[tilespmem:$0x11330] =	vst v45  }
0x1d5: {  	v56 =	vor.u32 $0x3E, v5;
	v59 =	vld.idx.msk [tilespmem:v52+s22+$0x0], $0xffff;
	[tilespmem:$0x11340] =	vst v47  }
0x1d6: {  	v58 =	vor.u32 $0x3F, v5;
	v60 =	vld.idx.msk [tilespmem:v54+s22+$0x0], $0xffff;
	[tilespmem:$0x11350] =	vst v49  }
0x1d7: {  	v61 =	vld.idx.msk [tilespmem:v55+s22+$0x0], $0xffff;
	[tilespmem:$0x11300] =	vst v30  }
0x1d8: {  	v30 =	vld.idx.msk [tilespmem:v46+s22+$0x0], $0xffff;
	[tilespmem:$0x11310] =	vst v31  }
0x1d9: {  	v31 =	vld.idx.msk [tilespmem:v48+s22+$0x0], $0xffff;
	[tilespmem:$0x11360] =	vst v51  }
0x1da: {  	v62 =	vld.idx.msk [tilespmem:v56+s22+$0x0], $0xffff;
	[tilespmem:$0x11370] =	vst v53  }
0x1db: {  	v63 =	vld.idx.msk [tilespmem:v58+s22+$0x0], $0xffff;
	[tilespmem:$0x113A0] =	vst v57  }
0x1dc: {  	[tilespmem:$0x113B0] =	vst v59  }
0x1dd: {  	[tilespmem:$0x113C0] =	vst v60  }
0x1de: {  	[tilespmem:$0x113D0] =	vst v61  }
0x1df: {  	[tilespmem:$0x11380] =	vst v30  }
0x1e0: {  	[tilespmem:$0x11390] =	vst v31  }
0x1e1: {  	[tilespmem:$0x113E0] =	vst v62  }
.Ltmp10:
0x1e2: {  	[tilespmem:$0x113F0] =	vst v63;
	(pc) =	sbr.rel .LBB2_13-.Ltmp10, $4  }
0x1e3: {  	[hbm4b:s9+s4] =	stream.linear.scatter [tilespmem:s24], [sflag:$0x5], $0x400, $0x38;
	[tilespmem:$0x11C00] =	vst v63  }
0x1e4: {  	_ =	swait.ge [sflag:s23], $0x400  }
0x1e5: {  	[sflag:s23] =	ssyncset.done $0x0  }
0x1e6: {  	[sflag:s23] =	ssyncadd.s32 $0xFFFFFC00  }
.LBB2_14:
0x1e7: {  	_ =	sfence.sel $0x180000  }
0x1e8: {  	[bflag:$0x0] =	sbarrier.arrive $0xFFFF  }
0x1e9: {  	_ =	strace $0x90000047  }
0x1ea: {  	s0 =	stileid.u32;
	[bflag:$0x2] =	sbarrier.arrive $0xFFFF  }
0x1eb: {  	p0 =	sne.s32 s0, $0x0;
	s0 =	rddreg [dreg:$0x2]  }
0x1ec: {  	s0 =	sadd.s32 @!p0 $0x100000, s0  }
0x1ed: {  	[sflag:s0] =	ssyncadd.tile.s32 @!p0 $0x1;
	_ =	shalt  }
.Lfunc_end2:
_tile_overlayer_lowered:
.L_overlay_start_2:
0x1ee: {  	(tag) =	ssettag $0x2  }
0x1ef: {  	s0 =	rddreg [dreg:$0x0];
	s2 =	stileid.u32  }
0x1f0: {  	s1 =	rddreg [dreg:$0x1];
	p0 =	sne.s32 s2, $0x0  }
0x1f1: {  	s3 =	rddreg [dreg:$0x2];
	[bflag:$0x3] =	sbarrier.arrive $0xFFFF;
	s2 =	simm.s32 @!p0 $0x1C05  }
0x1f2: {  	[timem:s3], [sflag:s2] =	dma.local @!p0 [hbm:s0], s1  }
0x1f3: {  	s0 =	simm.s32 @!p0 $0x5  }
0x1f4: {  	_ =	swait.ge @!p0 [sflag:s0], s1  }
0x1f5: {  	s1 =	ssub.s32 @!p0 $0x0, s1;
	[sflag:s0] =	ssyncset.done @!p0 $0x0  }
0x1f6: {  	[sflag:s0] =	ssyncadd.s32 @!p0 s1  }
0x1f7: {  	[bflag:$0x3] =	sbarrier.arrive $0xFFFF  }
0x1f8: {  	_ =	shalt  }

</sc_bundles>
